<compile_context>
chip_gen: v7x
topology: tpu7x:2x2x1
jax: 0.10.2.dev20260603
libtpu: 0.0.44.dev20260713+nightly
codegen_flags: <defaults>
</compile_context>

<pallas_src>
import functools

import jax
import jax.numpy as jnp
from jax import lax
from jax.experimental import pallas as pl
from jax.experimental.pallas import tpu as pltpu
from jax.experimental.pallas import tpu_sc as plsc

NUM_DIST = 3
NUM_BASE = 5
EMBED = 5
EDGE_EMBED = 128
TBL = 16


def _table_body(base_ref, dist_ref, w_ref, b_ref, out_ref):
    v_b = lax.broadcasted_iota(jnp.int32, (TBL, NUM_BASE), 0)
    c_b = lax.broadcasted_iota(jnp.int32, (TBL, NUM_BASE), 1)
    v_d = lax.broadcasted_iota(jnp.int32, (TBL, NUM_DIST), 0)
    c_d = lax.broadcasted_iota(jnp.int32, (TBL, NUM_DIST), 1)
    bi = jnp.minimum(v_b // NUM_DIST, NUM_BASE - 1)
    di = v_d % NUM_DIST
    onehot_b = (c_b == bi).astype(jnp.float32)
    onehot_d = (c_d == di).astype(jnp.float32)
    be = jnp.dot(onehot_b, base_ref[...], preferred_element_type=jnp.float32)
    de = jnp.dot(onehot_d, dist_ref[...], preferred_element_type=jnp.float32)
    h = jax.nn.relu(jnp.concatenate([be, de], axis=1))
    out = lax.dot_general(h, w_ref[...], (((1,), (1,)), ((), ())),
                          preferred_element_type=jnp.float32)
    out = out + b_ref[...][None, :]
    out_ref[...] = jnp.broadcast_to(out[None], (NREP, TBL, EDGE_EMBED))


NREP = 32


def _make_table(base_embed, distance_embed, W, b):
    return pl.pallas_call(
        _table_body,
        out_shape=jax.ShapeDtypeStruct((NREP, TBL, EDGE_EMBED), jnp.float32),
    )(base_embed, distance_embed, W, b)


def _make_gather(E, C=400, NB=2):
    info = plsc.get_sparse_core_info()
    NC, NS = info.num_cores, info.num_subcores
    NW = NC * NS
    n_chunks = E // C
    assert n_chunks * C == E and n_chunks % NW == 0 and (C * 4) % 64 == 0
    per_worker = n_chunks // NW

    @functools.partial(
        pl.kernel,
        mesh=plsc.VectorSubcoreMesh(core_axis_name="c", subcore_axis_name="s"),
        out_type=jax.ShapeDtypeStruct((E, EDGE_EMBED), jnp.float32),
        scratch_types=[
            pltpu.VMEM((C,), jnp.int32),
            pltpu.VMEM((C,), jnp.int32),
            pltpu.VMEM((NB, C, EDGE_EMBED), jnp.float32),
            pltpu.VMEM_SHARED((NREP * TBL, EDGE_EMBED), jnp.float32),
            pltpu.SemaphoreType.DMA,
            pltpu.SemaphoreType.DMA,
            pltpu.SemaphoreType.DMA,
            pltpu.SemaphoreType.DMA,
            pltpu.SemaphoreType.DMA,
        ],
    )
    def gather(table_hbm, x_hbm, out_hbm, idx0, idx1, rows_v, table_sh,
               gsem, ssem0, ssem1, isem0, isem1):
        idxs = (idx0, idx1)
        isems = (isem0, isem1)
        ssems = (ssem0, ssem1)
        sid = lax.axis_index("s")
        wid = sid * NC + lax.axis_index("c")
        row_off = wid * TBL

        @pl.when(sid == 0)
        def _():
            pltpu.sync_copy(table_hbm, table_sh)

        plsc.subcore_barrier()

        def idx_load(k, b):
            base = (k * NW + wid) * C
            pltpu.async_copy(x_hbm.at[pl.ds(base, C)], idxs[b], isems[b])

        def drain_store(b):
            pltpu.make_async_copy(
                rows_v.at[b], out_hbm.at[pl.ds(0, C)], ssems[b]).wait()

        def prep_idx(b):
            pltpu.make_async_copy(
                x_hbm.at[pl.ds(0, C)], idxs[b], isems[b]).wait()
            for i in range(C // 16):
                sl = pl.ds(i * 16, 16)
                idxs[b][sl] = idxs[b][sl] + row_off

        def guarded(k, fn):
            if isinstance(k, int):
                if k < per_worker:
                    fn()
            else:
                pl.when(k < per_worker)(fn)

        def do_chunk(k, b, drain):
            base = (k * NW + wid) * C
            if drain:
                drain_store(b)
            gh = pltpu.async_copy(table_sh.at[idxs[b]], rows_v.at[b], gsem)
            guarded(k + 1, lambda: prep_idx(1 - b))
            gh.wait()
            guarded(k + NB, lambda: idx_load(k + NB, b))
            pltpu.async_copy(rows_v.at[b], out_hbm.at[pl.ds(base, C)], ssems[b])

        head = min(NB, per_worker)
        tail = (per_worker - head) % NB
        main = (per_worker - head - tail) // NB
        for b in range(head):
            idx_load(b, b)
        prep_idx(0)
        for b in range(head):
            do_chunk(b, b, drain=False)

        def body(g, _):
            for b in range(NB):
                do_chunk(head + g * NB + b, b, drain=True)
            return ()

        lax.fori_loop(0, main, body, (), unroll=False)
        for t in range(tail):
            k = per_worker - tail + t
            do_chunk(k, k % NB, drain=True)
        for b in range(head):
            drain_store(b)

    return gather


def kernel(x, base_embed, distance_embed, W, b):
    table = _make_table(base_embed, distance_embed, W, b)
    table = table.reshape(NREP * TBL, EDGE_EMBED)
    E = x.shape[0]
    gather = _make_gather(E)
    return gather(table, x.astype(jnp.int32))

# --- scband reference (transcript-rebuilt; emitter-appended) ---
"""Pipeline reference for scband-edge-type-embedding-66666482368880 (READ-ONLY COPY).

The authoritative reference and input builder live on the scoring server;
editing this copy changes nothing except your own understanding.
"""

import jax, jax.numpy as jnp
import numpy as np

NUM_DIST = 3
NUM_BASE = 5
EMBED = 5
EDGE_EMBED = 128
E = 1600000

def setup_inputs(seed: int = 0) -> dict:
    key = jax.random.key(seed)
    k1, k2, k3, k4, k5 = jax.random.split(key, 5)
    x = jax.random.randint(k1, (E,), 0, 15, dtype=jnp.int64) if jax.config.jax_enable_x64 else jax.random.randint(k1, (E,), 0, 15, dtype=jnp.int32)
    base_embed = jax.random.normal(k2, (NUM_BASE, EMBED), dtype=jnp.float32)
    distance_embed = jax.random.normal(k3, (NUM_DIST, EMBED), dtype=jnp.float32)
    # torch Linear default init: U(-1/sqrt(in), 1/sqrt(in)) with in=2*EMBED
    bound = 1.0 / np.sqrt(2 * EMBED)
    W = jax.random.uniform(k4, (EDGE_EMBED, 2 * EMBED), dtype=jnp.float32, minval=-bound, maxval=bound)
    b = jax.random.uniform(k5, (EDGE_EMBED,), dtype=jnp.float32, minval=-bound, maxval=bound)
    return {"x": x, "base_embed": base_embed, "distance_embed": distance_embed, "W": W, "b": b}

def reference(x, base_embed, distance_embed, W, b):
    dist_index = x % NUM_DIST
    base_index = (x - dist_index) // NUM_DIST
    be = jnp.take(base_embed, base_index, axis=0)
    de = jnp.take(distance_embed, dist_index, axis=0)
    embed = jnp.concatenate((be, de), axis=-1)
    h = jax.nn.relu(embed)
    return h @ W.T + b

if __name__ == "__main__":
    import jax
    _d = setup_inputs()
    print(jax.jit(kernel)(*tuple(_d.values())))

</pallas_src>

<mosaic_0001>
#map = affine_map<(d0, d1) -> (0, 0)>
#map1 = affine_map<(d0, d1) -> (0)>
module attributes {stable_mosaic.version = 14 : i64} {
  func.func @gather(%arg0: i32, %arg1: i32, %arg2: memref<512x128xf32, #tpu.memory_space<hbm>>, %arg3: memref<1600000xi32, #tpu.memory_space<hbm>>, %arg4: memref<1600000x128xf32, #tpu.memory_space<hbm>>, %arg5: memref<400xi32, #tpu.memory_space<vmem>>, %arg6: memref<400xi32, #tpu.memory_space<vmem>>, %arg7: memref<2x400x128xf32, #tpu.memory_space<vmem>>, %arg8: memref<512x128xf32, #tpu.memory_space<vmem_shared>>, %arg9: memref<!tpu.dma_semaphore, #tpu.memory_space<semaphore_mem>>, %arg10: memref<!tpu.dma_semaphore, #tpu.memory_space<semaphore_mem>>, %arg11: memref<!tpu.dma_semaphore, #tpu.memory_space<semaphore_mem>>, %arg12: memref<!tpu.dma_semaphore, #tpu.memory_space<semaphore_mem>>, %arg13: memref<!tpu.dma_semaphore, #tpu.memory_space<semaphore_mem>>) attributes {dimension_semantics = [#tpu.dimension_semantics<core_parallel>, #tpu.dimension_semantics<subcore_parallel>], iteration_bounds = array<i64: 2, 16>, scalar_prefetch = 0 : i64, scratch_operands = 9 : i64, tpu.core_type = #tpu.core_type<sc_vector_subcore>, window_params = [{transform_indices = #map}, {transform_indices = #map1}, {transform_indices = #map}]} {
    %mul3A = arith.constant 2 : i32
    %mul3A_0 = arith.muli %arg1, %mul3A : i32
    %add3A = arith.addi %mul3A_0, %arg0 : i32
    %mul3A_1 = arith.constant 16 : i32
    %mul3A_2 = arith.muli %add3A, %mul3A_1 : i32
    %eq3A = arith.constant 0 : i32
    %eq3A_3 = arith.cmpi eq, %arg1, %eq3A : i32
    %convert_element_type3A = arith.extui %eq3A_3 : i1 to i32
    %cond3A = arith.constant 0 : i32
    %cond3A_4 = arith.cmpi ne, %convert_element_type3A, %cond3A : i32
    scf.if %cond3A_4 {
      "tpu.region"() ({
        %run_scoped3A = tpu.sem_alloc : memref<!tpu.dma_semaphore, #tpu.memory_space<semaphore_mem>>
        tpu.enqueue_dma source(%arg2 : memref<512x128xf32, #tpu.memory_space<hbm>>) target(%arg8 : memref<512x128xf32, #tpu.memory_space<vmem_shared>>) target_semaphore(%run_scoped3A : memref<!tpu.dma_semaphore, #tpu.memory_space<semaphore_mem>>)
        tpu.wait_dma2 semaphore(%run_scoped3A : memref<!tpu.dma_semaphore, #tpu.memory_space<semaphore_mem>>) src(%arg2 : memref<512x128xf32, #tpu.memory_space<hbm>>) dst(%arg8 : memref<512x128xf32, #tpu.memory_space<vmem_shared>>)
        tpu.yield
      }) : () -> ()
    } else {
    }
    %barrier3A = arith.constant 0 : index
    tpu.barrier barrier_id(%barrier3A)
    %add3A_5 = arith.constant 0 : i32
    %add3A_6 = arith.addi %add3A_5, %add3A : i32
    %mul3A_7 = arith.constant 400 : i32
    %mul3A_8 = arith.muli %add3A_6, %mul3A_7 : i32
    %dma_start3A = tpu.memref_slice %arg3[%mul3A_8] : memref<1600000xi32, #tpu.memory_space<hbm>> -> memref<400xi32, #tpu.memory_space<hbm>>
    %dma_start3A_9 = tpu.memref_slice %arg3[%mul3A_8] : memref<1600000xi32, #tpu.memory_space<hbm>> -> memref<400xi32, #tpu.memory_space<hbm>>
    tpu.enqueue_dma source(%dma_start3A_9 : memref<400xi32, #tpu.memory_space<hbm>>) target(%arg5 : memref<400xi32, #tpu.memory_space<vmem>>) target_semaphore(%arg12 : memref<!tpu.dma_semaphore, #tpu.memory_space<semaphore_mem>>)
    %add3A_10 = arith.constant 32 : i32
    %add3A_11 = arith.addi %add3A_10, %add3A : i32
    %mul3A_12 = arith.constant 400 : i32
    %mul3A_13 = arith.muli %add3A_11, %mul3A_12 : i32
    %dma_start3A_14 = tpu.memref_slice %arg3[%mul3A_13] : memref<1600000xi32, #tpu.memory_space<hbm>> -> memref<400xi32, #tpu.memory_space<hbm>>
    %dma_start3A_15 = tpu.memref_slice %arg3[%mul3A_13] : memref<1600000xi32, #tpu.memory_space<hbm>> -> memref<400xi32, #tpu.memory_space<hbm>>
    tpu.enqueue_dma source(%dma_start3A_15 : memref<400xi32, #tpu.memory_space<hbm>>) target(%arg6 : memref<400xi32, #tpu.memory_space<vmem>>) target_semaphore(%arg13 : memref<!tpu.dma_semaphore, #tpu.memory_space<semaphore_mem>>)
    %dma_wait3A = arith.constant 0 : i32
    %dma_wait3A_16 = tpu.memref_slice %arg3[%dma_wait3A] : memref<1600000xi32, #tpu.memory_space<hbm>> -> memref<400xi32, #tpu.memory_space<hbm>>
    %dma_wait3A_17 = arith.constant 0 : i32
    %dma_wait3A_18 = tpu.memref_slice %arg3[%dma_wait3A_17] : memref<1600000xi32, #tpu.memory_space<hbm>> -> memref<400xi32, #tpu.memory_space<hbm>>
    tpu.wait_dma2 semaphore(%arg12 : memref<!tpu.dma_semaphore, #tpu.memory_space<semaphore_mem>>) src(%dma_wait3A_18 : memref<400xi32, #tpu.memory_space<hbm>>) dst(%arg5 : memref<400xi32, #tpu.memory_space<vmem>>)
    %get3A = arith.constant 0 : index
    %get3A_19 = tpu.vector_load %arg5[%get3A] {strides = array<i32>} : memref<400xi32, #tpu.memory_space<vmem>>, vector<16xi32>,
    %get3A_20 = vector.shape_cast %get3A_19 : vector<16xi32> to vector<16xi32>
    %add3A_21 = vector.broadcast %mul3A_2 : i32 to vector<16xi32>
    %add3A_22 = arith.addi %get3A_20, %add3A_21 : vector<16xi32>
    %swap3A = arith.constant 0 : index
    %swap3A_23 = tpu.vector_load %arg5[%swap3A] {strides = array<i32>} : memref<400xi32, #tpu.memory_space<vmem>>, vector<16xi32>,
    %swap3A_24 = vector.shape_cast %swap3A_23 : vector<16xi32> to vector<16xi32>
    %swap3A_25 = vector.shape_cast %add3A_22 : vector<16xi32> to vector<16xi32>
    tpu.vector_store %arg5[%swap3A], %swap3A_25 {strides = array<i32>} : memref<400xi32, #tpu.memory_space<vmem>>, vector<16xi32>,
    %get3A_26 = arith.constant 16 : index
    %get3A_27 = tpu.vector_load %arg5[%get3A_26] {strides = array<i32>} : memref<400xi32, #tpu.memory_space<vmem>>, vector<16xi32>,
    %get3A_28 = vector.shape_cast %get3A_27 : vector<16xi32> to vector<16xi32>
    %add3A_29 = vector.broadcast %mul3A_2 : i32 to vector<16xi32>
    %add3A_30 = arith.addi %get3A_28, %add3A_29 : vector<16xi32>
    %swap3A_31 = arith.constant 16 : index
    %swap3A_32 = tpu.vector_load %arg5[%swap3A_31] {strides = array<i32>} : memref<400xi32, #tpu.memory_space<vmem>>, vector<16xi32>,
    %swap3A_33 = vector.shape_cast %swap3A_32 : vector<16xi32> to vector<16xi32>
    %swap3A_34 = vector.shape_cast %add3A_30 : vector<16xi32> to vector<16xi32>
    tpu.vector_store %arg5[%swap3A_31], %swap3A_34 {strides = array<i32>} : memref<400xi32, #tpu.memory_space<vmem>>, vector<16xi32>,
    %get3A_35 = arith.constant 32 : index
    %get3A_36 = tpu.vector_load %arg5[%get3A_35] {strides = array<i32>} : memref<400xi32, #tpu.memory_space<vmem>>, vector<16xi32>,
    %get3A_37 = vector.shape_cast %get3A_36 : vector<16xi32> to vector<16xi32>
    %add3A_38 = vector.broadcast %mul3A_2 : i32 to vector<16xi32>
    %add3A_39 = arith.addi %get3A_37, %add3A_38 : vector<16xi32>
    %swap3A_40 = arith.constant 32 : index
    %swap3A_41 = tpu.vector_load %arg5[%swap3A_40] {strides = array<i32>} : memref<400xi32, #tpu.memory_space<vmem>>, vector<16xi32>,
    %swap3A_42 = vector.shape_cast %swap3A_41 : vector<16xi32> to vector<16xi32>
    %swap3A_43 = vector.shape_cast %add3A_39 : vector<16xi32> to vector<16xi32>
    tpu.vector_store %arg5[%swap3A_40], %swap3A_43 {strides = array<i32>} : memref<400xi32, #tpu.memory_space<vmem>>, vector<16xi32>,
    %get3A_44 = arith.constant 48 : index
    %get3A_45 = tpu.vector_load %arg5[%get3A_44] {strides = array<i32>} : memref<400xi32, #tpu.memory_space<vmem>>, vector<16xi32>,
    %get3A_46 = vector.shape_cast %get3A_45 : vector<16xi32> to vector<16xi32>
    %add3A_47 = vector.broadcast %mul3A_2 : i32 to vector<16xi32>
    %add3A_48 = arith.addi %get3A_46, %add3A_47 : vector<16xi32>
    %swap3A_49 = arith.constant 48 : index
    %swap3A_50 = tpu.vector_load %arg5[%swap3A_49] {strides = array<i32>} : memref<400xi32, #tpu.memory_space<vmem>>, vector<16xi32>,
    %swap3A_51 = vector.shape_cast %swap3A_50 : vector<16xi32> to vector<16xi32>
    %swap3A_52 = vector.shape_cast %add3A_48 : vector<16xi32> to vector<16xi32>
    tpu.vector_store %arg5[%swap3A_49], %swap3A_52 {strides = array<i32>} : memref<400xi32, #tpu.memory_space<vmem>>, vector<16xi32>,
    %get3A_53 = arith.constant 64 : index
    %get3A_54 = tpu.vector_load %arg5[%get3A_53] {strides = array<i32>} : memref<400xi32, #tpu.memory_space<vmem>>, vector<16xi32>,
    %get3A_55 = vector.shape_cast %get3A_54 : vector<16xi32> to vector<16xi32>
    %add3A_56 = vector.broadcast %mul3A_2 : i32 to vector<16xi32>
    %add3A_57 = arith.addi %get3A_55, %add3A_56 : vector<16xi32>
    %swap3A_58 = arith.constant 64 : index
    %swap3A_59 = tpu.vector_load %arg5[%swap3A_58] {strides = array<i32>} : memref<400xi32, #tpu.memory_space<vmem>>, vector<16xi32>,
    %swap3A_60 = vector.shape_cast %swap3A_59 : vector<16xi32> to vector<16xi32>
    %swap3A_61 = vector.shape_cast %add3A_57 : vector<16xi32> to vector<16xi32>
    tpu.vector_store %arg5[%swap3A_58], %swap3A_61 {strides = array<i32>} : memref<400xi32, #tpu.memory_space<vmem>>, vector<16xi32>,
    %get3A_62 = arith.constant 80 : index
    %get3A_63 = tpu.vector_load %arg5[%get3A_62] {strides = array<i32>} : memref<400xi32, #tpu.memory_space<vmem>>, vector<16xi32>,
    %get3A_64 = vector.shape_cast %get3A_63 : vector<16xi32> to vector<16xi32>
    %add3A_65 = vector.broadcast %mul3A_2 : i32 to vector<16xi32>
    %add3A_66 = arith.addi %get3A_64, %add3A_65 : vector<16xi32>
    %swap3A_67 = arith.constant 80 : index
    %swap3A_68 = tpu.vector_load %arg5[%swap3A_67] {strides = array<i32>} : memref<400xi32, #tpu.memory_space<vmem>>, vector<16xi32>,
    %swap3A_69 = vector.shape_cast %swap3A_68 : vector<16xi32> to vector<16xi32>
    %swap3A_70 = vector.shape_cast %add3A_66 : vector<16xi32> to vector<16xi32>
    tpu.vector_store %arg5[%swap3A_67], %swap3A_70 {strides = array<i32>} : memref<400xi32, #tpu.memory_space<vmem>>, vector<16xi32>,
    %get3A_71 = arith.constant 96 : index
    %get3A_72 = tpu.vector_load %arg5[%get3A_71] {strides = array<i32>} : memref<400xi32, #tpu.memory_space<vmem>>, vector<16xi32>,
    %get3A_73 = vector.shape_cast %get3A_72 : vector<16xi32> to vector<16xi32>
    %add3A_74 = vector.broadcast %mul3A_2 : i32 to vector<16xi32>
    %add3A_75 = arith.addi %get3A_73, %add3A_74 : vector<16xi32>
    %swap3A_76 = arith.constant 96 : index
    %swap3A_77 = tpu.vector_load %arg5[%swap3A_76] {strides = array<i32>} : memref<400xi32, #tpu.memory_space<vmem>>, vector<16xi32>,
    %swap3A_78 = vector.shape_cast %swap3A_77 : vector<16xi32> to vector<16xi32>
    %swap3A_79 = vector.shape_cast %add3A_75 : vector<16xi32> to vector<16xi32>
    tpu.vector_store %arg5[%swap3A_76], %swap3A_79 {strides = array<i32>} : memref<400xi32, #tpu.memory_space<vmem>>, vector<16xi32>,
    %get3A_80 = arith.constant 112 : index
    %get3A_81 = tpu.vector_load %arg5[%get3A_80] {strides = array<i32>} : memref<400xi32, #tpu.memory_space<vmem>>, vector<16xi32>,
    %get3A_82 = vector.shape_cast %get3A_81 : vector<16xi32> to vector<16xi32>
    %add3A_83 = vector.broadcast %mul3A_2 : i32 to vector<16xi32>
    %add3A_84 = arith.addi %get3A_82, %add3A_83 : vector<16xi32>
    %swap3A_85 = arith.constant 112 : index
    %swap3A_86 = tpu.vector_load %arg5[%swap3A_85] {strides = array<i32>} : memref<400xi32, #tpu.memory_space<vmem>>, vector<16xi32>,
    %swap3A_87 = vector.shape_cast %swap3A_86 : vector<16xi32> to vector<16xi32>
    %swap3A_88 = vector.shape_cast %add3A_84 : vector<16xi32> to vector<16xi32>
    tpu.vector_store %arg5[%swap3A_85], %swap3A_88 {strides = array<i32>} : memref<400xi32, #tpu.memory_space<vmem>>, vector<16xi32>,
    %get3A_89 = arith.constant 128 : index
    %get3A_90 = tpu.vector_load %arg5[%get3A_89] {strides = array<i32>} : memref<400xi32, #tpu.memory_space<vmem>>, vector<16xi32>,
    %get3A_91 = vector.shape_cast %get3A_90 : vector<16xi32> to vector<16xi32>
    %add3A_92 = vector.broadcast %mul3A_2 : i32 to vector<16xi32>
    %add3A_93 = arith.addi %get3A_91, %add3A_92 : vector<16xi32>
    %swap3A_94 = arith.constant 128 : index
    %swap3A_95 = tpu.vector_load %arg5[%swap3A_94] {strides = array<i32>} : memref<400xi32, #tpu.memory_space<vmem>>, vector<16xi32>,
    %swap3A_96 = vector.shape_cast %swap3A_95 : vector<16xi32> to vector<16xi32>
    %swap3A_97 = vector.shape_cast %add3A_93 : vector<16xi32> to vector<16xi32>
    tpu.vector_store %arg5[%swap3A_94], %swap3A_97 {strides = array<i32>} : memref<400xi32, #tpu.memory_space<vmem>>, vector<16xi32>,
    %get3A_98 = arith.constant 144 : index
    %get3A_99 = tpu.vector_load %arg5[%get3A_98] {strides = array<i32>} : memref<400xi32, #tpu.memory_space<vmem>>, vector<16xi32>,
    %get3A_100 = vector.shape_cast %get3A_99 : vector<16xi32> to vector<16xi32>
    %add3A_101 = vector.broadcast %mul3A_2 : i32 to vector<16xi32>
    %add3A_102 = arith.addi %get3A_100, %add3A_101 : vector<16xi32>
    %swap3A_103 = arith.constant 144 : index
    %swap3A_104 = tpu.vector_load %arg5[%swap3A_103] {strides = array<i32>} : memref<400xi32, #tpu.memory_space<vmem>>, vector<16xi32>,
    %swap3A_105 = vector.shape_cast %swap3A_104 : vector<16xi32> to vector<16xi32>
    %swap3A_106 = vector.shape_cast %add3A_102 : vector<16xi32> to vector<16xi32>
    tpu.vector_store %arg5[%swap3A_103], %swap3A_106 {strides = array<i32>} : memref<400xi32, #tpu.memory_space<vmem>>, vector<16xi32>,
    %get3A_107 = arith.constant 160 : index
    %get3A_108 = tpu.vector_load %arg5[%get3A_107] {strides = array<i32>} : memref<400xi32, #tpu.memory_space<vmem>>, vector<16xi32>,
    %get3A_109 = vector.shape_cast %get3A_108 : vector<16xi32> to vector<16xi32>
    %add3A_110 = vector.broadcast %mul3A_2 : i32 to vector<16xi32>
    %add3A_111 = arith.addi %get3A_109, %add3A_110 : vector<16xi32>
    %swap3A_112 = arith.constant 160 : index
    %swap3A_113 = tpu.vector_load %arg5[%swap3A_112] {strides = array<i32>} : memref<400xi32, #tpu.memory_space<vmem>>, vector<16xi32>,
    %swap3A_114 = vector.shape_cast %swap3A_113 : vector<16xi32> to vector<16xi32>
    %swap3A_115 = vector.shape_cast %add3A_111 : vector<16xi32> to vector<16xi32>
    tpu.vector_store %arg5[%swap3A_112], %swap3A_115 {strides = array<i32>} : memref<400xi32, #tpu.memory_space<vmem>>, vector<16xi32>,
    %get3A_116 = arith.constant 176 : index
    %get3A_117 = tpu.vector_load %arg5[%get3A_116] {strides = array<i32>} : memref<400xi32, #tpu.memory_space<vmem>>, vector<16xi32>,
    %get3A_118 = vector.shape_cast %get3A_117 : vector<16xi32> to vector<16xi32>
    %add3A_119 = vector.broadcast %mul3A_2 : i32 to vector<16xi32>
    %add3A_120 = arith.addi %get3A_118, %add3A_119 : vector<16xi32>
    %swap3A_121 = arith.constant 176 : index
    %swap3A_122 = tpu.vector_load %arg5[%swap3A_121] {strides = array<i32>} : memref<400xi32, #tpu.memory_space<vmem>>, vector<16xi32>,
    %swap3A_123 = vector.shape_cast %swap3A_122 : vector<16xi32> to vector<16xi32>
    %swap3A_124 = vector.shape_cast %add3A_120 : vector<16xi32> to vector<16xi32>
    tpu.vector_store %arg5[%swap3A_121], %swap3A_124 {strides = array<i32>} : memref<400xi32, #tpu.memory_space<vmem>>, vector<16xi32>,
    %get3A_125 = arith.constant 192 : index
    %get3A_126 = tpu.vector_load %arg5[%get3A_125] {strides = array<i32>} : memref<400xi32, #tpu.memory_space<vmem>>, vector<16xi32>,
    %get3A_127 = vector.shape_cast %get3A_126 : vector<16xi32> to vector<16xi32>
    %add3A_128 = vector.broadcast %mul3A_2 : i32 to vector<16xi32>
    %add3A_129 = arith.addi %get3A_127, %add3A_128 : vector<16xi32>
    %swap3A_130 = arith.constant 192 : index
    %swap3A_131 = tpu.vector_load %arg5[%swap3A_130] {strides = array<i32>} : memref<400xi32, #tpu.memory_space<vmem>>, vector<16xi32>,
    %swap3A_132 = vector.shape_cast %swap3A_131 : vector<16xi32> to vector<16xi32>
    %swap3A_133 = vector.shape_cast %add3A_129 : vector<16xi32> to vector<16xi32>
    tpu.vector_store %arg5[%swap3A_130], %swap3A_133 {strides = array<i32>} : memref<400xi32, #tpu.memory_space<vmem>>, vector<16xi32>,
    %get3A_134 = arith.constant 208 : index
    %get3A_135 = tpu.vector_load %arg5[%get3A_134] {strides = array<i32>} : memref<400xi32, #tpu.memory_space<vmem>>, vector<16xi32>,
    %get3A_136 = vector.shape_cast %get3A_135 : vector<16xi32> to vector<16xi32>
    %add3A_137 = vector.broadcast %mul3A_2 : i32 to vector<16xi32>
    %add3A_138 = arith.addi %get3A_136, %add3A_137 : vector<16xi32>
    %swap3A_139 = arith.constant 208 : index
    %swap3A_140 = tpu.vector_load %arg5[%swap3A_139] {strides = array<i32>} : memref<400xi32, #tpu.memory_space<vmem>>, vector<16xi32>,
    %swap3A_141 = vector.shape_cast %swap3A_140 : vector<16xi32> to vector<16xi32>
    %swap3A_142 = vector.shape_cast %add3A_138 : vector<16xi32> to vector<16xi32>
    tpu.vector_store %arg5[%swap3A_139], %swap3A_142 {strides = array<i32>} : memref<400xi32, #tpu.memory_space<vmem>>, vector<16xi32>,
    %get3A_143 = arith.constant 224 : index
    %get3A_144 = tpu.vector_load %arg5[%get3A_143] {strides = array<i32>} : memref<400xi32, #tpu.memory_space<vmem>>, vector<16xi32>,
    %get3A_145 = vector.shape_cast %get3A_144 : vector<16xi32> to vector<16xi32>
    %add3A_146 = vector.broadcast %mul3A_2 : i32 to vector<16xi32>
    %add3A_147 = arith.addi %get3A_145, %add3A_146 : vector<16xi32>
    %swap3A_148 = arith.constant 224 : index
    %swap3A_149 = tpu.vector_load %arg5[%swap3A_148] {strides = array<i32>} : memref<400xi32, #tpu.memory_space<vmem>>, vector<16xi32>,
    %swap3A_150 = vector.shape_cast %swap3A_149 : vector<16xi32> to vector<16xi32>
    %swap3A_151 = vector.shape_cast %add3A_147 : vector<16xi32> to vector<16xi32>
    tpu.vector_store %arg5[%swap3A_148], %swap3A_151 {strides = array<i32>} : memref<400xi32, #tpu.memory_space<vmem>>, vector<16xi32>,
    %get3A_152 = arith.constant 240 : index
    %get3A_153 = tpu.vector_load %arg5[%get3A_152] {strides = array<i32>} : memref<400xi32, #tpu.memory_space<vmem>>, vector<16xi32>,
    %get3A_154 = vector.shape_cast %get3A_153 : vector<16xi32> to vector<16xi32>
    %add3A_155 = vector.broadcast %mul3A_2 : i32 to vector<16xi32>
    %add3A_156 = arith.addi %get3A_154, %add3A_155 : vector<16xi32>
    %swap3A_157 = arith.constant 240 : index
    %swap3A_158 = tpu.vector_load %arg5[%swap3A_157] {strides = array<i32>} : memref<400xi32, #tpu.memory_space<vmem>>, vector<16xi32>,
    %swap3A_159 = vector.shape_cast %swap3A_158 : vector<16xi32> to vector<16xi32>
    %swap3A_160 = vector.shape_cast %add3A_156 : vector<16xi32> to vector<16xi32>
    tpu.vector_store %arg5[%swap3A_157], %swap3A_160 {strides = array<i32>} : memref<400xi32, #tpu.memory_space<vmem>>, vector<16xi32>,
    %get3A_161 = arith.constant 256 : index
    %get3A_162 = tpu.vector_load %arg5[%get3A_161] {strides = array<i32>} : memref<400xi32, #tpu.memory_space<vmem>>, vector<16xi32>,
    %get3A_163 = vector.shape_cast %get3A_162 : vector<16xi32> to vector<16xi32>
    %add3A_164 = vector.broadcast %mul3A_2 : i32 to vector<16xi32>
    %add3A_165 = arith.addi %get3A_163, %add3A_164 : vector<16xi32>
    %swap3A_166 = arith.constant 256 : index
    %swap3A_167 = tpu.vector_load %arg5[%swap3A_166] {strides = array<i32>} : memref<400xi32, #tpu.memory_space<vmem>>, vector<16xi32>,
    %swap3A_168 = vector.shape_cast %swap3A_167 : vector<16xi32> to vector<16xi32>
    %swap3A_169 = vector.shape_cast %add3A_165 : vector<16xi32> to vector<16xi32>
    tpu.vector_store %arg5[%swap3A_166], %swap3A_169 {strides = array<i32>} : memref<400xi32, #tpu.memory_space<vmem>>, vector<16xi32>,
    %get3A_170 = arith.constant 272 : index
    %get3A_171 = tpu.vector_load %arg5[%get3A_170] {strides = array<i32>} : memref<400xi32, #tpu.memory_space<vmem>>, vector<16xi32>,
    %get3A_172 = vector.shape_cast %get3A_171 : vector<16xi32> to vector<16xi32>
    %add3A_173 = vector.broadcast %mul3A_2 : i32 to vector<16xi32>
    %add3A_174 = arith.addi %get3A_172, %add3A_173 : vector<16xi32>
    %swap3A_175 = arith.constant 272 : index
    %swap3A_176 = tpu.vector_load %arg5[%swap3A_175] {strides = array<i32>} : memref<400xi32, #tpu.memory_space<vmem>>, vector<16xi32>,
    %swap3A_177 = vector.shape_cast %swap3A_176 : vector<16xi32> to vector<16xi32>
    %swap3A_178 = vector.shape_cast %add3A_174 : vector<16xi32> to vector<16xi32>
    tpu.vector_store %arg5[%swap3A_175], %swap3A_178 {strides = array<i32>} : memref<400xi32, #tpu.memory_space<vmem>>, vector<16xi32>,
    %get3A_179 = arith.constant 288 : index
    %get3A_180 = tpu.vector_load %arg5[%get3A_179] {strides = array<i32>} : memref<400xi32, #tpu.memory_space<vmem>>, vector<16xi32>,
    %get3A_181 = vector.shape_cast %get3A_180 : vector<16xi32> to vector<16xi32>
    %add3A_182 = vector.broadcast %mul3A_2 : i32 to vector<16xi32>
    %add3A_183 = arith.addi %get3A_181, %add3A_182 : vector<16xi32>
    %swap3A_184 = arith.constant 288 : index
    %swap3A_185 = tpu.vector_load %arg5[%swap3A_184] {strides = array<i32>} : memref<400xi32, #tpu.memory_space<vmem>>, vector<16xi32>,
    %swap3A_186 = vector.shape_cast %swap3A_185 : vector<16xi32> to vector<16xi32>
    %swap3A_187 = vector.shape_cast %add3A_183 : vector<16xi32> to vector<16xi32>
    tpu.vector_store %arg5[%swap3A_184], %swap3A_187 {strides = array<i32>} : memref<400xi32, #tpu.memory_space<vmem>>, vector<16xi32>,
    %get3A_188 = arith.constant 304 : index
    %get3A_189 = tpu.vector_load %arg5[%get3A_188] {strides = array<i32>} : memref<400xi32, #tpu.memory_space<vmem>>, vector<16xi32>,
    %get3A_190 = vector.shape_cast %get3A_189 : vector<16xi32> to vector<16xi32>
    %add3A_191 = vector.broadcast %mul3A_2 : i32 to vector<16xi32>
    %add3A_192 = arith.addi %get3A_190, %add3A_191 : vector<16xi32>
    %swap3A_193 = arith.constant 304 : index
    %swap3A_194 = tpu.vector_load %arg5[%swap3A_193] {strides = array<i32>} : memref<400xi32, #tpu.memory_space<vmem>>, vector<16xi32>,
    %swap3A_195 = vector.shape_cast %swap3A_194 : vector<16xi32> to vector<16xi32>
    %swap3A_196 = vector.shape_cast %add3A_192 : vector<16xi32> to vector<16xi32>
    tpu.vector_store %arg5[%swap3A_193], %swap3A_196 {strides = array<i32>} : memref<400xi32, #tpu.memory_space<vmem>>, vector<16xi32>,
    %get3A_197 = arith.constant 320 : index
    %get3A_198 = tpu.vector_load %arg5[%get3A_197] {strides = array<i32>} : memref<400xi32, #tpu.memory_space<vmem>>, vector<16xi32>,
    %get3A_199 = vector.shape_cast %get3A_198 : vector<16xi32> to vector<16xi32>
    %add3A_200 = vector.broadcast %mul3A_2 : i32 to vector<16xi32>
    %add3A_201 = arith.addi %get3A_199, %add3A_200 : vector<16xi32>
    %swap3A_202 = arith.constant 320 : index
    %swap3A_203 = tpu.vector_load %arg5[%swap3A_202] {strides = array<i32>} : memref<400xi32, #tpu.memory_space<vmem>>, vector<16xi32>,
    %swap3A_204 = vector.shape_cast %swap3A_203 : vector<16xi32> to vector<16xi32>
    %swap3A_205 = vector.shape_cast %add3A_201 : vector<16xi32> to vector<16xi32>
    tpu.vector_store %arg5[%swap3A_202], %swap3A_205 {strides = array<i32>} : memref<400xi32, #tpu.memory_space<vmem>>, vector<16xi32>,
    %get3A_206 = arith.constant 336 : index
    %get3A_207 = tpu.vector_load %arg5[%get3A_206] {strides = array<i32>} : memref<400xi32, #tpu.memory_space<vmem>>, vector<16xi32>,
    %get3A_208 = vector.shape_cast %get3A_207 : vector<16xi32> to vector<16xi32>
    %add3A_209 = vector.broadcast %mul3A_2 : i32 to vector<16xi32>
    %add3A_210 = arith.addi %get3A_208, %add3A_209 : vector<16xi32>
    %swap3A_211 = arith.constant 336 : index
    %swap3A_212 = tpu.vector_load %arg5[%swap3A_211] {strides = array<i32>} : memref<400xi32, #tpu.memory_space<vmem>>, vector<16xi32>,
    %swap3A_213 = vector.shape_cast %swap3A_212 : vector<16xi32> to vector<16xi32>
    %swap3A_214 = vector.shape_cast %add3A_210 : vector<16xi32> to vector<16xi32>
    tpu.vector_store %arg5[%swap3A_211], %swap3A_214 {strides = array<i32>} : memref<400xi32, #tpu.memory_space<vmem>>, vector<16xi32>,
    %get3A_215 = arith.constant 352 : index
    %get3A_216 = tpu.vector_load %arg5[%get3A_215] {strides = array<i32>} : memref<400xi32, #tpu.memory_space<vmem>>, vector<16xi32>,
    %get3A_217 = vector.shape_cast %get3A_216 : vector<16xi32> to vector<16xi32>
    %add3A_218 = vector.broadcast %mul3A_2 : i32 to vector<16xi32>
    %add3A_219 = arith.addi %get3A_217, %add3A_218 : vector<16xi32>
    %swap3A_220 = arith.constant 352 : index
    %swap3A_221 = tpu.vector_load %arg5[%swap3A_220] {strides = array<i32>} : memref<400xi32, #tpu.memory_space<vmem>>, vector<16xi32>,
    %swap3A_222 = vector.shape_cast %swap3A_221 : vector<16xi32> to vector<16xi32>
    %swap3A_223 = vector.shape_cast %add3A_219 : vector<16xi32> to vector<16xi32>
    tpu.vector_store %arg5[%swap3A_220], %swap3A_223 {strides = array<i32>} : memref<400xi32, #tpu.memory_space<vmem>>, vector<16xi32>,
    %get3A_224 = arith.constant 368 : index
    %get3A_225 = tpu.vector_load %arg5[%get3A_224] {strides = array<i32>} : memref<400xi32, #tpu.memory_space<vmem>>, vector<16xi32>,
    %get3A_226 = vector.shape_cast %get3A_225 : vector<16xi32> to vector<16xi32>
    %add3A_227 = vector.broadcast %mul3A_2 : i32 to vector<16xi32>
    %add3A_228 = arith.addi %get3A_226, %add3A_227 : vector<16xi32>
    %swap3A_229 = arith.constant 368 : index
    %swap3A_230 = tpu.vector_load %arg5[%swap3A_229] {strides = array<i32>} : memref<400xi32, #tpu.memory_space<vmem>>, vector<16xi32>,
    %swap3A_231 = vector.shape_cast %swap3A_230 : vector<16xi32> to vector<16xi32>
    %swap3A_232 = vector.shape_cast %add3A_228 : vector<16xi32> to vector<16xi32>
    tpu.vector_store %arg5[%swap3A_229], %swap3A_232 {strides = array<i32>} : memref<400xi32, #tpu.memory_space<vmem>>, vector<16xi32>,
    %get3A_233 = arith.constant 384 : index
    %get3A_234 = tpu.vector_load %arg5[%get3A_233] {strides = array<i32>} : memref<400xi32, #tpu.memory_space<vmem>>, vector<16xi32>,
    %get3A_235 = vector.shape_cast %get3A_234 : vector<16xi32> to vector<16xi32>
    %add3A_236 = vector.broadcast %mul3A_2 : i32 to vector<16xi32>
    %add3A_237 = arith.addi %get3A_235, %add3A_236 : vector<16xi32>
    %swap3A_238 = arith.constant 384 : index
    %swap3A_239 = tpu.vector_load %arg5[%swap3A_238] {strides = array<i32>} : memref<400xi32, #tpu.memory_space<vmem>>, vector<16xi32>,
    %swap3A_240 = vector.shape_cast %swap3A_239 : vector<16xi32> to vector<16xi32>
    %swap3A_241 = vector.shape_cast %add3A_237 : vector<16xi32> to vector<16xi32>
    tpu.vector_store %arg5[%swap3A_238], %swap3A_241 {strides = array<i32>} : memref<400xi32, #tpu.memory_space<vmem>>, vector<16xi32>,
    %add3A_242 = arith.constant 0 : i32
    %add3A_243 = arith.addi %add3A_242, %add3A : i32
    %mul3A_244 = arith.constant 400 : i32
    %mul3A_245 = arith.muli %add3A_243, %mul3A_244 : i32
    %dma_start3A_246 = arith.constant 0 : i32
    %dma_start3A_247 = arith.constant 0 : i32
    %dma_start3A_248 = arith.constant 0 : i32
    %dma_start3A_249 = tpu.memref_slice %arg7[%dma_start3A_246, %dma_start3A_247, %dma_start3A_248] : memref<2x400x128xf32, #tpu.memory_space<vmem>> -> memref<1x400x128xf32, #tpu.memory_space<vmem>>
    %dma_start3A_250 = tpu.memref_squeeze %dma_start3A_249 : memref<1x400x128xf32, #tpu.memory_space<vmem>> -> memref<400x128xf32, #tpu.memory_space<vmem>>
    %dma_start3A_251 = arith.constant 0 : i32
    %dma_start3A_252 = arith.constant 0 : i32
    %dma_start3A_253 = tpu.memref_slice %arg8[%dma_start3A_251, %dma_start3A_252] : memref<512x128xf32, #tpu.memory_space<vmem_shared>> -> memref<512x128xf32, #tpu.memory_space<vmem_shared>>
    tpu.enqueue_indirect_dma source(%dma_start3A_253 : memref<512x128xf32, #tpu.memory_space<vmem_shared>>) target(%dma_start3A_250 : memref<400x128xf32, #tpu.memory_space<vmem>>) offsets(%arg5 : memref<400xi32, #tpu.memory_space<vmem>>) semaphore(%arg9 : memref<!tpu.dma_semaphore, #tpu.memory_space<semaphore_mem>>)
    %dma_wait3A_254 = arith.constant 0 : i32
    %dma_wait3A_255 = tpu.memref_slice %arg3[%dma_wait3A_254] : memref<1600000xi32, #tpu.memory_space<hbm>> -> memref<400xi32, #tpu.memory_space<hbm>>
    %dma_wait3A_256 = arith.constant 0 : i32
    %dma_wait3A_257 = tpu.memref_slice %arg3[%dma_wait3A_256] : memref<1600000xi32, #tpu.memory_space<hbm>> -> memref<400xi32, #tpu.memory_space<hbm>>
    tpu.wait_dma2 semaphore(%arg13 : memref<!tpu.dma_semaphore, #tpu.memory_space<semaphore_mem>>) src(%dma_wait3A_257 : memref<400xi32, #tpu.memory_space<hbm>>) dst(%arg6 : memref<400xi32, #tpu.memory_space<vmem>>)
    %get3A_258 = arith.constant 0 : index
    %get3A_259 = tpu.vector_load %arg6[%get3A_258] {strides = array<i32>} : memref<400xi32, #tpu.memory_space<vmem>>, vector<16xi32>,
    %get3A_260 = vector.shape_cast %get3A_259 : vector<16xi32> to vector<16xi32>
    %add3A_261 = vector.broadcast %mul3A_2 : i32 to vector<16xi32>
    %add3A_262 = arith.addi %get3A_260, %add3A_261 : vector<16xi32>
    %swap3A_263 = arith.constant 0 : index
    %swap3A_264 = tpu.vector_load %arg6[%swap3A_263] {strides = array<i32>} : memref<400xi32, #tpu.memory_space<vmem>>, vector<16xi32>,
    %swap3A_265 = vector.shape_cast %swap3A_264 : vector<16xi32> to vector<16xi32>
    %swap3A_266 = vector.shape_cast %add3A_262 : vector<16xi32> to vector<16xi32>
    tpu.vector_store %arg6[%swap3A_263], %swap3A_266 {strides = array<i32>} : memref<400xi32, #tpu.memory_space<vmem>>, vector<16xi32>,
    %get3A_267 = arith.constant 16 : index
    %get3A_268 = tpu.vector_load %arg6[%get3A_267] {strides = array<i32>} : memref<400xi32, #tpu.memory_space<vmem>>, vector<16xi32>,
    %get3A_269 = vector.shape_cast %get3A_268 : vector<16xi32> to vector<16xi32>
    %add3A_270 = vector.broadcast %mul3A_2 : i32 to vector<16xi32>
    %add3A_271 = arith.addi %get3A_269, %add3A_270 : vector<16xi32>
    %swap3A_272 = arith.constant 16 : index
    %swap3A_273 = tpu.vector_load %arg6[%swap3A_272] {strides = array<i32>} : memref<400xi32, #tpu.memory_space<vmem>>, vector<16xi32>,
    %swap3A_274 = vector.shape_cast %swap3A_273 : vector<16xi32> to vector<16xi32>
    %swap3A_275 = vector.shape_cast %add3A_271 : vector<16xi32> to vector<16xi32>
    tpu.vector_store %arg6[%swap3A_272], %swap3A_275 {strides = array<i32>} : memref<400xi32, #tpu.memory_space<vmem>>, vector<16xi32>,
    %get3A_276 = arith.constant 32 : index
    %get3A_277 = tpu.vector_load %arg6[%get3A_276] {strides = array<i32>} : memref<400xi32, #tpu.memory_space<vmem>>, vector<16xi32>,
    %get3A_278 = vector.shape_cast %get3A_277 : vector<16xi32> to vector<16xi32>
    %add3A_279 = vector.broadcast %mul3A_2 : i32 to vector<16xi32>
    %add3A_280 = arith.addi %get3A_278, %add3A_279 : vector<16xi32>
    %swap3A_281 = arith.constant 32 : index
    %swap3A_282 = tpu.vector_load %arg6[%swap3A_281] {strides = array<i32>} : memref<400xi32, #tpu.memory_space<vmem>>, vector<16xi32>,
    %swap3A_283 = vector.shape_cast %swap3A_282 : vector<16xi32> to vector<16xi32>
    %swap3A_284 = vector.shape_cast %add3A_280 : vector<16xi32> to vector<16xi32>
    tpu.vector_store %arg6[%swap3A_281], %swap3A_284 {strides = array<i32>} : memref<400xi32, #tpu.memory_space<vmem>>, vector<16xi32>,
    %get3A_285 = arith.constant 48 : index
    %get3A_286 = tpu.vector_load %arg6[%get3A_285] {strides = array<i32>} : memref<400xi32, #tpu.memory_space<vmem>>, vector<16xi32>,
    %get3A_287 = vector.shape_cast %get3A_286 : vector<16xi32> to vector<16xi32>
    %add3A_288 = vector.broadcast %mul3A_2 : i32 to vector<16xi32>
    %add3A_289 = arith.addi %get3A_287, %add3A_288 : vector<16xi32>
    %swap3A_290 = arith.constant 48 : index
    %swap3A_291 = tpu.vector_load %arg6[%swap3A_290] {strides = array<i32>} : memref<400xi32, #tpu.memory_space<vmem>>, vector<16xi32>,
    %swap3A_292 = vector.shape_cast %swap3A_291 : vector<16xi32> to vector<16xi32>
    %swap3A_293 = vector.shape_cast %add3A_289 : vector<16xi32> to vector<16xi32>
    tpu.vector_store %arg6[%swap3A_290], %swap3A_293 {strides = array<i32>} : memref<400xi32, #tpu.memory_space<vmem>>, vector<16xi32>,
    %get3A_294 = arith.constant 64 : index
    %get3A_295 = tpu.vector_load %arg6[%get3A_294] {strides = array<i32>} : memref<400xi32, #tpu.memory_space<vmem>>, vector<16xi32>,
    %get3A_296 = vector.shape_cast %get3A_295 : vector<16xi32> to vector<16xi32>
    %add3A_297 = vector.broadcast %mul3A_2 : i32 to vector<16xi32>
    %add3A_298 = arith.addi %get3A_296, %add3A_297 : vector<16xi32>
    %swap3A_299 = arith.constant 64 : index
    %swap3A_300 = tpu.vector_load %arg6[%swap3A_299] {strides = array<i32>} : memref<400xi32, #tpu.memory_space<vmem>>, vector<16xi32>,
    %swap3A_301 = vector.shape_cast %swap3A_300 : vector<16xi32> to vector<16xi32>
    %swap3A_302 = vector.shape_cast %add3A_298 : vector<16xi32> to vector<16xi32>
    tpu.vector_store %arg6[%swap3A_299], %swap3A_302 {strides = array<i32>} : memref<400xi32, #tpu.memory_space<vmem>>, vector<16xi32>,
    %get3A_303 = arith.constant 80 : index
    %get3A_304 = tpu.vector_load %arg6[%get3A_303] {strides = array<i32>} : memref<400xi32, #tpu.memory_space<vmem>>, vector<16xi32>,
    %get3A_305 = vector.shape_cast %get3A_304 : vector<16xi32> to vector<16xi32>
    %add3A_306 = vector.broadcast %mul3A_2 : i32 to vector<16xi32>
    %add3A_307 = arith.addi %get3A_305, %add3A_306 : vector<16xi32>
    %swap3A_308 = arith.constant 80 : index
    %swap3A_309 = tpu.vector_load %arg6[%swap3A_308] {strides = array<i32>} : memref<400xi32, #tpu.memory_space<vmem>>, vector<16xi32>,
    %swap3A_310 = vector.shape_cast %swap3A_309 : vector<16xi32> to vector<16xi32>
    %swap3A_311 = vector.shape_cast %add3A_307 : vector<16xi32> to vector<16xi32>
    tpu.vector_store %arg6[%swap3A_308], %swap3A_311 {strides = array<i32>} : memref<400xi32, #tpu.memory_space<vmem>>, vector<16xi32>,
    %get3A_312 = arith.constant 96 : index
    %get3A_313 = tpu.vector_load %arg6[%get3A_312] {strides = array<i32>} : memref<400xi32, #tpu.memory_space<vmem>>, vector<16xi32>,
    %get3A_314 = vector.shape_cast %get3A_313 : vector<16xi32> to vector<16xi32>
    %add3A_315 = vector.broadcast %mul3A_2 : i32 to vector<16xi32>
    %add3A_316 = arith.addi %get3A_314, %add3A_315 : vector<16xi32>
    %swap3A_317 = arith.constant 96 : index
    %swap3A_318 = tpu.vector_load %arg6[%swap3A_317] {strides = array<i32>} : memref<400xi32, #tpu.memory_space<vmem>>, vector<16xi32>,
    %swap3A_319 = vector.shape_cast %swap3A_318 : vector<16xi32> to vector<16xi32>
    %swap3A_320 = vector.shape_cast %add3A_316 : vector<16xi32> to vector<16xi32>
    tpu.vector_store %arg6[%swap3A_317], %swap3A_320 {strides = array<i32>} : memref<400xi32, #tpu.memory_space<vmem>>, vector<16xi32>,
    %get3A_321 = arith.constant 112 : index
    %get3A_322 = tpu.vector_load %arg6[%get3A_321] {strides = array<i32>} : memref<400xi32, #tpu.memory_space<vmem>>, vector<16xi32>,
    %get3A_323 = vector.shape_cast %get3A_322 : vector<16xi32> to vector<16xi32>
    %add3A_324 = vector.broadcast %mul3A_2 : i32 to vector<16xi32>
    %add3A_325 = arith.addi %get3A_323, %add3A_324 : vector<16xi32>
    %swap3A_326 = arith.constant 112 : index
    %swap3A_327 = tpu.vector_load %arg6[%swap3A_326] {strides = array<i32>} : memref<400xi32, #tpu.memory_space<vmem>>, vector<16xi32>,
    %swap3A_328 = vector.shape_cast %swap3A_327 : vector<16xi32> to vector<16xi32>
    %swap3A_329 = vector.shape_cast %add3A_325 : vector<16xi32> to vector<16xi32>
    tpu.vector_store %arg6[%swap3A_326], %swap3A_329 {strides = array<i32>} : memref<400xi32, #tpu.memory_space<vmem>>, vector<16xi32>,
    %get3A_330 = arith.constant 128 : index
    %get3A_331 = tpu.vector_load %arg6[%get3A_330] {strides = array<i32>} : memref<400xi32, #tpu.memory_space<vmem>>, vector<16xi32>,
    %get3A_332 = vector.shape_cast %get3A_331 : vector<16xi32> to vector<16xi32>
    %add3A_333 = vector.broadcast %mul3A_2 : i32 to vector<16xi32>
    %add3A_334 = arith.addi %get3A_332, %add3A_333 : vector<16xi32>
    %swap3A_335 = arith.constant 128 : index
    %swap3A_336 = tpu.vector_load %arg6[%swap3A_335] {strides = array<i32>} : memref<400xi32, #tpu.memory_space<vmem>>, vector<16xi32>,
    %swap3A_337 = vector.shape_cast %swap3A_336 : vector<16xi32> to vector<16xi32>
    %swap3A_338 = vector.shape_cast %add3A_334 : vector<16xi32> to vector<16xi32>
    tpu.vector_store %arg6[%swap3A_335], %swap3A_338 {strides = array<i32>} : memref<400xi32, #tpu.memory_space<vmem>>, vector<16xi32>,
    %get3A_339 = arith.constant 144 : index
    %get3A_340 = tpu.vector_load %arg6[%get3A_339] {strides = array<i32>} : memref<400xi32, #tpu.memory_space<vmem>>, vector<16xi32>,
    %get3A_341 = vector.shape_cast %get3A_340 : vector<16xi32> to vector<16xi32>
    %add3A_342 = vector.broadcast %mul3A_2 : i32 to vector<16xi32>
    %add3A_343 = arith.addi %get3A_341, %add3A_342 : vector<16xi32>
    %swap3A_344 = arith.constant 144 : index
    %swap3A_345 = tpu.vector_load %arg6[%swap3A_344] {strides = array<i32>} : memref<400xi32, #tpu.memory_space<vmem>>, vector<16xi32>,
    %swap3A_346 = vector.shape_cast %swap3A_345 : vector<16xi32> to vector<16xi32>
    %swap3A_347 = vector.shape_cast %add3A_343 : vector<16xi32> to vector<16xi32>
    tpu.vector_store %arg6[%swap3A_344], %swap3A_347 {strides = array<i32>} : memref<400xi32, #tpu.memory_space<vmem>>, vector<16xi32>,
    %get3A_348 = arith.constant 160 : index
    %get3A_349 = tpu.vector_load %arg6[%get3A_348] {strides = array<i32>} : memref<400xi32, #tpu.memory_space<vmem>>, vector<16xi32>,
    %get3A_350 = vector.shape_cast %get3A_349 : vector<16xi32> to vector<16xi32>
    %add3A_351 = vector.broadcast %mul3A_2 : i32 to vector<16xi32>
    %add3A_352 = arith.addi %get3A_350, %add3A_351 : vector<16xi32>
    %swap3A_353 = arith.constant 160 : index
    %swap3A_354 = tpu.vector_load %arg6[%swap3A_353] {strides = array<i32>} : memref<400xi32, #tpu.memory_space<vmem>>, vector<16xi32>,
    %swap3A_355 = vector.shape_cast %swap3A_354 : vector<16xi32> to vector<16xi32>
    %swap3A_356 = vector.shape_cast %add3A_352 : vector<16xi32> to vector<16xi32>
    tpu.vector_store %arg6[%swap3A_353], %swap3A_356 {strides = array<i32>} : memref<400xi32, #tpu.memory_space<vmem>>, vector<16xi32>,
    %get3A_357 = arith.constant 176 : index
    %get3A_358 = tpu.vector_load %arg6[%get3A_357] {strides = array<i32>} : memref<400xi32, #tpu.memory_space<vmem>>, vector<16xi32>,
    %get3A_359 = vector.shape_cast %get3A_358 : vector<16xi32> to vector<16xi32>
    %add3A_360 = vector.broadcast %mul3A_2 : i32 to vector<16xi32>
    %add3A_361 = arith.addi %get3A_359, %add3A_360 : vector<16xi32>
    %swap3A_362 = arith.constant 176 : index
    %swap3A_363 = tpu.vector_load %arg6[%swap3A_362] {strides = array<i32>} : memref<400xi32, #tpu.memory_space<vmem>>, vector<16xi32>,
    %swap3A_364 = vector.shape_cast %swap3A_363 : vector<16xi32> to vector<16xi32>
    %swap3A_365 = vector.shape_cast %add3A_361 : vector<16xi32> to vector<16xi32>
    tpu.vector_store %arg6[%swap3A_362], %swap3A_365 {strides = array<i32>} : memref<400xi32, #tpu.memory_space<vmem>>, vector<16xi32>,
    %get3A_366 = arith.constant 192 : index
    %get3A_367 = tpu.vector_load %arg6[%get3A_366] {strides = array<i32>} : memref<400xi32, #tpu.memory_space<vmem>>, vector<16xi32>,
    %get3A_368 = vector.shape_cast %get3A_367 : vector<16xi32> to vector<16xi32>
    %add3A_369 = vector.broadcast %mul3A_2 : i32 to vector<16xi32>
    %add3A_370 = arith.addi %get3A_368, %add3A_369 : vector<16xi32>
    %swap3A_371 = arith.constant 192 : index
    %swap3A_372 = tpu.vector_load %arg6[%swap3A_371] {strides = array<i32>} : memref<400xi32, #tpu.memory_space<vmem>>, vector<16xi32>,
    %swap3A_373 = vector.shape_cast %swap3A_372 : vector<16xi32> to vector<16xi32>
    %swap3A_374 = vector.shape_cast %add3A_370 : vector<16xi32> to vector<16xi32>
    tpu.vector_store %arg6[%swap3A_371], %swap3A_374 {strides = array<i32>} : memref<400xi32, #tpu.memory_space<vmem>>, vector<16xi32>,
    %get3A_375 = arith.constant 208 : index
    %get3A_376 = tpu.vector_load %arg6[%get3A_375] {strides = array<i32>} : memref<400xi32, #tpu.memory_space<vmem>>, vector<16xi32>,
    %get3A_377 = vector.shape_cast %get3A_376 : vector<16xi32> to vector<16xi32>
    %add3A_378 = vector.broadcast %mul3A_2 : i32 to vector<16xi32>
    %add3A_379 = arith.addi %get3A_377, %add3A_378 : vector<16xi32>
    %swap3A_380 = arith.constant 208 : index
    %swap3A_381 = tpu.vector_load %arg6[%swap3A_380] {strides = array<i32>} : memref<400xi32, #tpu.memory_space<vmem>>, vector<16xi32>,
    %swap3A_382 = vector.shape_cast %swap3A_381 : vector<16xi32> to vector<16xi32>
    %swap3A_383 = vector.shape_cast %add3A_379 : vector<16xi32> to vector<16xi32>
    tpu.vector_store %arg6[%swap3A_380], %swap3A_383 {strides = array<i32>} : memref<400xi32, #tpu.memory_space<vmem>>, vector<16xi32>,
    %get3A_384 = arith.constant 224 : index
    %get3A_385 = tpu.vector_load %arg6[%get3A_384] {strides = array<i32>} : memref<400xi32, #tpu.memory_space<vmem>>, vector<16xi32>,
    %get3A_386 = vector.shape_cast %get3A_385 : vector<16xi32> to vector<16xi32>
    %add3A_387 = vector.broadcast %mul3A_2 : i32 to vector<16xi32>
    %add3A_388 = arith.addi %get3A_386, %add3A_387 : vector<16xi32>
    %swap3A_389 = arith.constant 224 : index
    %swap3A_390 = tpu.vector_load %arg6[%swap3A_389] {strides = array<i32>} : memref<400xi32, #tpu.memory_space<vmem>>, vector<16xi32>,
    %swap3A_391 = vector.shape_cast %swap3A_390 : vector<16xi32> to vector<16xi32>
    %swap3A_392 = vector.shape_cast %add3A_388 : vector<16xi32> to vector<16xi32>
    tpu.vector_store %arg6[%swap3A_389], %swap3A_392 {strides = array<i32>} : memref<400xi32, #tpu.memory_space<vmem>>, vector<16xi32>,
    %get3A_393 = arith.constant 240 : index
    %get3A_394 = tpu.vector_load %arg6[%get3A_393] {strides = array<i32>} : memref<400xi32, #tpu.memory_space<vmem>>, vector<16xi32>,
    %get3A_395 = vector.shape_cast %get3A_394 : vector<16xi32> to vector<16xi32>
    %add3A_396 = vector.broadcast %mul3A_2 : i32 to vector<16xi32>
    %add3A_397 = arith.addi %get3A_395, %add3A_396 : vector<16xi32>
    %swap3A_398 = arith.constant 240 : index
    %swap3A_399 = tpu.vector_load %arg6[%swap3A_398] {strides = array<i32>} : memref<400xi32, #tpu.memory_space<vmem>>, vector<16xi32>,
    %swap3A_400 = vector.shape_cast %swap3A_399 : vector<16xi32> to vector<16xi32>
    %swap3A_401 = vector.shape_cast %add3A_397 : vector<16xi32> to vector<16xi32>
    tpu.vector_store %arg6[%swap3A_398], %swap3A_401 {strides = array<i32>} : memref<400xi32, #tpu.memory_space<vmem>>, vector<16xi32>,
    %get3A_402 = arith.constant 256 : index
    %get3A_403 = tpu.vector_load %arg6[%get3A_402] {strides = array<i32>} : memref<400xi32, #tpu.memory_space<vmem>>, vector<16xi32>,
    %get3A_404 = vector.shape_cast %get3A_403 : vector<16xi32> to vector<16xi32>
    %add3A_405 = vector.broadcast %mul3A_2 : i32 to vector<16xi32>
    %add3A_406 = arith.addi %get3A_404, %add3A_405 : vector<16xi32>
    %swap3A_407 = arith.constant 256 : index
    %swap3A_408 = tpu.vector_load %arg6[%swap3A_407] {strides = array<i32>} : memref<400xi32, #tpu.memory_space<vmem>>, vector<16xi32>,
    %swap3A_409 = vector.shape_cast %swap3A_408 : vector<16xi32> to vector<16xi32>
    %swap3A_410 = vector.shape_cast %add3A_406 : vector<16xi32> to vector<16xi32>
    tpu.vector_store %arg6[%swap3A_407], %swap3A_410 {strides = array<i32>} : memref<400xi32, #tpu.memory_space<vmem>>, vector<16xi32>,
    %get3A_411 = arith.constant 272 : index
    %get3A_412 = tpu.vector_load %arg6[%get3A_411] {strides = array<i32>} : memref<400xi32, #tpu.memory_space<vmem>>, vector<16xi32>,
    %get3A_413 = vector.shape_cast %get3A_412 : vector<16xi32> to vector<16xi32>
    %add3A_414 = vector.broadcast %mul3A_2 : i32 to vector<16xi32>
    %add3A_415 = arith.addi %get3A_413, %add3A_414 : vector<16xi32>
    %swap3A_416 = arith.constant 272 : index
    %swap3A_417 = tpu.vector_load %arg6[%swap3A_416] {strides = array<i32>} : memref<400xi32, #tpu.memory_space<vmem>>, vector<16xi32>,
    %swap3A_418 = vector.shape_cast %swap3A_417 : vector<16xi32> to vector<16xi32>
    %swap3A_419 = vector.shape_cast %add3A_415 : vector<16xi32> to vector<16xi32>
    tpu.vector_store %arg6[%swap3A_416], %swap3A_419 {strides = array<i32>} : memref<400xi32, #tpu.memory_space<vmem>>, vector<16xi32>,
    %get3A_420 = arith.constant 288 : index
    %get3A_421 = tpu.vector_load %arg6[%get3A_420] {strides = array<i32>} : memref<400xi32, #tpu.memory_space<vmem>>, vector<16xi32>,
    %get3A_422 = vector.shape_cast %get3A_421 : vector<16xi32> to vector<16xi32>
    %add3A_423 = vector.broadcast %mul3A_2 : i32 to vector<16xi32>
    %add3A_424 = arith.addi %get3A_422, %add3A_423 : vector<16xi32>
    %swap3A_425 = arith.constant 288 : index
    %swap3A_426 = tpu.vector_load %arg6[%swap3A_425] {strides = array<i32>} : memref<400xi32, #tpu.memory_space<vmem>>, vector<16xi32>,
    %swap3A_427 = vector.shape_cast %swap3A_426 : vector<16xi32> to vector<16xi32>
    %swap3A_428 = vector.shape_cast %add3A_424 : vector<16xi32> to vector<16xi32>
    tpu.vector_store %arg6[%swap3A_425], %swap3A_428 {strides = array<i32>} : memref<400xi32, #tpu.memory_space<vmem>>, vector<16xi32>,
    %get3A_429 = arith.constant 304 : index
    %get3A_430 = tpu.vector_load %arg6[%get3A_429] {strides = array<i32>} : memref<400xi32, #tpu.memory_space<vmem>>, vector<16xi32>,
    %get3A_431 = vector.shape_cast %get3A_430 : vector<16xi32> to vector<16xi32>
    %add3A_432 = vector.broadcast %mul3A_2 : i32 to vector<16xi32>
    %add3A_433 = arith.addi %get3A_431, %add3A_432 : vector<16xi32>
    %swap3A_434 = arith.constant 304 : index
    %swap3A_435 = tpu.vector_load %arg6[%swap3A_434] {strides = array<i32>} : memref<400xi32, #tpu.memory_space<vmem>>, vector<16xi32>,
    %swap3A_436 = vector.shape_cast %swap3A_435 : vector<16xi32> to vector<16xi32>
    %swap3A_437 = vector.shape_cast %add3A_433 : vector<16xi32> to vector<16xi32>
    tpu.vector_store %arg6[%swap3A_434], %swap3A_437 {strides = array<i32>} : memref<400xi32, #tpu.memory_space<vmem>>, vector<16xi32>,
    %get3A_438 = arith.constant 320 : index
    %get3A_439 = tpu.vector_load %arg6[%get3A_438] {strides = array<i32>} : memref<400xi32, #tpu.memory_space<vmem>>, vector<16xi32>,
    %get3A_440 = vector.shape_cast %get3A_439 : vector<16xi32> to vector<16xi32>
    %add3A_441 = vector.broadcast %mul3A_2 : i32 to vector<16xi32>
    %add3A_442 = arith.addi %get3A_440, %add3A_441 : vector<16xi32>
    %swap3A_443 = arith.constant 320 : index
    %swap3A_444 = tpu.vector_load %arg6[%swap3A_443] {strides = array<i32>} : memref<400xi32, #tpu.memory_space<vmem>>, vector<16xi32>,
    %swap3A_445 = vector.shape_cast %swap3A_444 : vector<16xi32> to vector<16xi32>
    %swap3A_446 = vector.shape_cast %add3A_442 : vector<16xi32> to vector<16xi32>
    tpu.vector_store %arg6[%swap3A_443], %swap3A_446 {strides = array<i32>} : memref<400xi32, #tpu.memory_space<vmem>>, vector<16xi32>,
    %get3A_447 = arith.constant 336 : index
    %get3A_448 = tpu.vector_load %arg6[%get3A_447] {strides = array<i32>} : memref<400xi32, #tpu.memory_space<vmem>>, vector<16xi32>,
    %get3A_449 = vector.shape_cast %get3A_448 : vector<16xi32> to vector<16xi32>
    %add3A_450 = vector.broadcast %mul3A_2 : i32 to vector<16xi32>
    %add3A_451 = arith.addi %get3A_449, %add3A_450 : vector<16xi32>
    %swap3A_452 = arith.constant 336 : index
    %swap3A_453 = tpu.vector_load %arg6[%swap3A_452] {strides = array<i32>} : memref<400xi32, #tpu.memory_space<vmem>>, vector<16xi32>,
    %swap3A_454 = vector.shape_cast %swap3A_453 : vector<16xi32> to vector<16xi32>
    %swap3A_455 = vector.shape_cast %add3A_451 : vector<16xi32> to vector<16xi32>
    tpu.vector_store %arg6[%swap3A_452], %swap3A_455 {strides = array<i32>} : memref<400xi32, #tpu.memory_space<vmem>>, vector<16xi32>,
    %get3A_456 = arith.constant 352 : index
    %get3A_457 = tpu.vector_load %arg6[%get3A_456] {strides = array<i32>} : memref<400xi32, #tpu.memory_space<vmem>>, vector<16xi32>,
    %get3A_458 = vector.shape_cast %get3A_457 : vector<16xi32> to vector<16xi32>
    %add3A_459 = vector.broadcast %mul3A_2 : i32 to vector<16xi32>
    %add3A_460 = arith.addi %get3A_458, %add3A_459 : vector<16xi32>
    %swap3A_461 = arith.constant 352 : index
    %swap3A_462 = tpu.vector_load %arg6[%swap3A_461] {strides = array<i32>} : memref<400xi32, #tpu.memory_space<vmem>>, vector<16xi32>,
    %swap3A_463 = vector.shape_cast %swap3A_462 : vector<16xi32> to vector<16xi32>
    %swap3A_464 = vector.shape_cast %add3A_460 : vector<16xi32> to vector<16xi32>
    tpu.vector_store %arg6[%swap3A_461], %swap3A_464 {strides = array<i32>} : memref<400xi32, #tpu.memory_space<vmem>>, vector<16xi32>,
    %get3A_465 = arith.constant 368 : index
    %get3A_466 = tpu.vector_load %arg6[%get3A_465] {strides = array<i32>} : memref<400xi32, #tpu.memory_space<vmem>>, vector<16xi32>,
    %get3A_467 = vector.shape_cast %get3A_466 : vector<16xi32> to vector<16xi32>
    %add3A_468 = vector.broadcast %mul3A_2 : i32 to vector<16xi32>
    %add3A_469 = arith.addi %get3A_467, %add3A_468 : vector<16xi32>
    %swap3A_470 = arith.constant 368 : index
    %swap3A_471 = tpu.vector_load %arg6[%swap3A_470] {strides = array<i32>} : memref<400xi32, #tpu.memory_space<vmem>>, vector<16xi32>,
    %swap3A_472 = vector.shape_cast %swap3A_471 : vector<16xi32> to vector<16xi32>
    %swap3A_473 = vector.shape_cast %add3A_469 : vector<16xi32> to vector<16xi32>
    tpu.vector_store %arg6[%swap3A_470], %swap3A_473 {strides = array<i32>} : memref<400xi32, #tpu.memory_space<vmem>>, vector<16xi32>,
    %get3A_474 = arith.constant 384 : index
    %get3A_475 = tpu.vector_load %arg6[%get3A_474] {strides = array<i32>} : memref<400xi32, #tpu.memory_space<vmem>>, vector<16xi32>,
    %get3A_476 = vector.shape_cast %get3A_475 : vector<16xi32> to vector<16xi32>
    %add3A_477 = vector.broadcast %mul3A_2 : i32 to vector<16xi32>
    %add3A_478 = arith.addi %get3A_476, %add3A_477 : vector<16xi32>
    %swap3A_479 = arith.constant 384 : index
    %swap3A_480 = tpu.vector_load %arg6[%swap3A_479] {strides = array<i32>} : memref<400xi32, #tpu.memory_space<vmem>>, vector<16xi32>,
    %swap3A_481 = vector.shape_cast %swap3A_480 : vector<16xi32> to vector<16xi32>
    %swap3A_482 = vector.shape_cast %add3A_478 : vector<16xi32> to vector<16xi32>
    tpu.vector_store %arg6[%swap3A_479], %swap3A_482 {strides = array<i32>} : memref<400xi32, #tpu.memory_space<vmem>>, vector<16xi32>,
    %dma_wait3A_483 = arith.constant 0 : i32
    %dma_wait3A_484 = arith.constant 0 : i32
    %dma_wait3A_485 = arith.constant 0 : i32
    %dma_wait3A_486 = tpu.memref_slice %arg7[%dma_wait3A_483, %dma_wait3A_484, %dma_wait3A_485] : memref<2x400x128xf32, #tpu.memory_space<vmem>> -> memref<1x400x128xf32, #tpu.memory_space<vmem>>
    %dma_wait3A_487 = tpu.memref_squeeze %dma_wait3A_486 : memref<1x400x128xf32, #tpu.memory_space<vmem>> -> memref<400x128xf32, #tpu.memory_space<vmem>>
    %dma_wait3A_488 = arith.constant 0 : i32
    %dma_wait3A_489 = arith.constant 0 : i32
    %dma_wait3A_490 = tpu.memref_slice %arg8[%dma_wait3A_488, %dma_wait3A_489] : memref<512x128xf32, #tpu.memory_space<vmem_shared>> -> memref<512x128xf32, #tpu.memory_space<vmem_shared>>
    tpu.wait_indirect_dma semaphore(%arg9 : memref<!tpu.dma_semaphore, #tpu.memory_space<semaphore_mem>>) src(%dma_wait3A_490 : memref<512x128xf32, #tpu.memory_space<vmem_shared>>) dst(%dma_wait3A_487 : memref<400x128xf32, #tpu.memory_space<vmem>>)
    %add3A_491 = arith.constant 64 : i32
    %add3A_492 = arith.addi %add3A_491, %add3A : i32
    %mul3A_493 = arith.constant 400 : i32
    %mul3A_494 = arith.muli %add3A_492, %mul3A_493 : i32
    %dma_start3A_495 = tpu.memref_slice %arg3[%mul3A_494] : memref<1600000xi32, #tpu.memory_space<hbm>> -> memref<400xi32, #tpu.memory_space<hbm>>
    %dma_start3A_496 = tpu.memref_slice %arg3[%mul3A_494] : memref<1600000xi32, #tpu.memory_space<hbm>> -> memref<400xi32, #tpu.memory_space<hbm>>
    tpu.enqueue_dma source(%dma_start3A_496 : memref<400xi32, #tpu.memory_space<hbm>>) target(%arg5 : memref<400xi32, #tpu.memory_space<vmem>>) target_semaphore(%arg12 : memref<!tpu.dma_semaphore, #tpu.memory_space<semaphore_mem>>)
    %dma_start3A_497 = arith.constant 0 : i32
    %dma_start3A_498 = arith.constant 0 : i32
    %dma_start3A_499 = arith.constant 0 : i32
    %dma_start3A_500 = tpu.memref_slice %arg7[%dma_start3A_497, %dma_start3A_498, %dma_start3A_499] : memref<2x400x128xf32, #tpu.memory_space<vmem>> -> memref<1x400x128xf32, #tpu.memory_space<vmem>>
    %dma_start3A_501 = tpu.memref_squeeze %dma_start3A_500 : memref<1x400x128xf32, #tpu.memory_space<vmem>> -> memref<400x128xf32, #tpu.memory_space<vmem>>
    %dma_start3A_502 = arith.constant 0 : i32
    %dma_start3A_503 = tpu.memref_slice %arg4[%mul3A_245, %dma_start3A_502] : memref<1600000x128xf32, #tpu.memory_space<hbm>> -> memref<400x128xf32, #tpu.memory_space<hbm>>
    %dma_start3A_504 = arith.constant 0 : i32
    %dma_start3A_505 = tpu.memref_slice %arg4[%mul3A_245, %dma_start3A_504] : memref<1600000x128xf32, #tpu.memory_space<hbm>> -> memref<400x128xf32, #tpu.memory_space<hbm>>
    %dma_start3A_506 = arith.constant 0 : i32
    %dma_start3A_507 = arith.constant 0 : i32
    %dma_start3A_508 = tpu.memref_slice %arg7[%dma_start3A_497, %dma_start3A_506, %dma_start3A_507] : memref<2x400x128xf32, #tpu.memory_space<vmem>> -> memref<1x400x128xf32, #tpu.memory_space<vmem>>
    %dma_start3A_509 = tpu.memref_squeeze %dma_start3A_508 : memref<1x400x128xf32, #tpu.memory_space<vmem>> -> memref<400x128xf32, #tpu.memory_space<vmem>>
    tpu.enqueue_dma source(%dma_start3A_509 : memref<400x128xf32, #tpu.memory_space<vmem>>) target(%dma_start3A_505 : memref<400x128xf32, #tpu.memory_space<hbm>>) target_semaphore(%arg10 : memref<!tpu.dma_semaphore, #tpu.memory_space<semaphore_mem>>)
    %add3A_510 = arith.constant 32 : i32
    %add3A_511 = arith.addi %add3A_510, %add3A : i32
    %mul3A_512 = arith.constant 400 : i32
    %mul3A_513 = arith.muli %add3A_511, %mul3A_512 : i32
    %dma_start3A_514 = arith.constant 1 : i32
    %dma_start3A_515 = arith.constant 0 : i32
    %dma_start3A_516 = arith.constant 0 : i32
    %dma_start3A_517 = tpu.memref_slice %arg7[%dma_start3A_514, %dma_start3A_515, %dma_start3A_516] : memref<2x400x128xf32, #tpu.memory_space<vmem>> -> memref<1x400x128xf32, #tpu.memory_space<vmem>>
    %dma_start3A_518 = tpu.memref_squeeze %dma_start3A_517 : memref<1x400x128xf32, #tpu.memory_space<vmem>> -> memref<400x128xf32, #tpu.memory_space<vmem>>
    %dma_start3A_519 = arith.constant 0 : i32
    %dma_start3A_520 = arith.constant 0 : i32
    %dma_start3A_521 = tpu.memref_slice %arg8[%dma_start3A_519, %dma_start3A_520] : memref<512x128xf32, #tpu.memory_space<vmem_shared>> -> memref<512x128xf32, #tpu.memory_space<vmem_shared>>
    tpu.enqueue_indirect_dma source(%dma_start3A_521 : memref<512x128xf32, #tpu.memory_space<vmem_shared>>) target(%dma_start3A_518 : memref<400x128xf32, #tpu.memory_space<vmem>>) offsets(%arg6 : memref<400xi32, #tpu.memory_space<vmem>>) semaphore(%arg9 : memref<!tpu.dma_semaphore, #tpu.memory_space<semaphore_mem>>)
    %dma_wait3A_522 = arith.constant 0 : i32
    %dma_wait3A_523 = tpu.memref_slice %arg3[%dma_wait3A_522] : memref<1600000xi32, #tpu.memory_space<hbm>> -> memref<400xi32, #tpu.memory_space<hbm>>
    %dma_wait3A_524 = arith.constant 0 : i32
    %dma_wait3A_525 = tpu.memref_slice %arg3[%dma_wait3A_524] : memref<1600000xi32, #tpu.memory_space<hbm>> -> memref<400xi32, #tpu.memory_space<hbm>>
    tpu.wait_dma2 semaphore(%arg12 : memref<!tpu.dma_semaphore, #tpu.memory_space<semaphore_mem>>) src(%dma_wait3A_525 : memref<400xi32, #tpu.memory_space<hbm>>) dst(%arg5 : memref<400xi32, #tpu.memory_space<vmem>>)
    %get3A_526 = arith.constant 0 : index
    %get3A_527 = tpu.vector_load %arg5[%get3A_526] {strides = array<i32>} : memref<400xi32, #tpu.memory_space<vmem>>, vector<16xi32>,
    %get3A_528 = vector.shape_cast %get3A_527 : vector<16xi32> to vector<16xi32>
    %add3A_529 = vector.broadcast %mul3A_2 : i32 to vector<16xi32>
    %add3A_530 = arith.addi %get3A_528, %add3A_529 : vector<16xi32>
    %swap3A_531 = arith.constant 0 : index
    %swap3A_532 = tpu.vector_load %arg5[%swap3A_531] {strides = array<i32>} : memref<400xi32, #tpu.memory_space<vmem>>, vector<16xi32>,
    %swap3A_533 = vector.shape_cast %swap3A_532 : vector<16xi32> to vector<16xi32>
    %swap3A_534 = vector.shape_cast %add3A_530 : vector<16xi32> to vector<16xi32>
    tpu.vector_store %arg5[%swap3A_531], %swap3A_534 {strides = array<i32>} : memref<400xi32, #tpu.memory_space<vmem>>, vector<16xi32>,
    %get3A_535 = arith.constant 16 : index
    %get3A_536 = tpu.vector_load %arg5[%get3A_535] {strides = array<i32>} : memref<400xi32, #tpu.memory_space<vmem>>, vector<16xi32>,
    %get3A_537 = vector.shape_cast %get3A_536 : vector<16xi32> to vector<16xi32>
    %add3A_538 = vector.broadcast %mul3A_2 : i32 to vector<16xi32>
    %add3A_539 = arith.addi %get3A_537, %add3A_538 : vector<16xi32>
    %swap3A_540 = arith.constant 16 : index
    %swap3A_541 = tpu.vector_load %arg5[%swap3A_540] {strides = array<i32>} : memref<400xi32, #tpu.memory_space<vmem>>, vector<16xi32>,
    %swap3A_542 = vector.shape_cast %swap3A_541 : vector<16xi32> to vector<16xi32>
    %swap3A_543 = vector.shape_cast %add3A_539 : vector<16xi32> to vector<16xi32>
    tpu.vector_store %arg5[%swap3A_540], %swap3A_543 {strides = array<i32>} : memref<400xi32, #tpu.memory_space<vmem>>, vector<16xi32>,
    %get3A_544 = arith.constant 32 : index
    %get3A_545 = tpu.vector_load %arg5[%get3A_544] {strides = array<i32>} : memref<400xi32, #tpu.memory_space<vmem>>, vector<16xi32>,
    %get3A_546 = vector.shape_cast %get3A_545 : vector<16xi32> to vector<16xi32>
    %add3A_547 = vector.broadcast %mul3A_2 : i32 to vector<16xi32>
    %add3A_548 = arith.addi %get3A_546, %add3A_547 : vector<16xi32>
    %swap3A_549 = arith.constant 32 : index
    %swap3A_550 = tpu.vector_load %arg5[%swap3A_549] {strides = array<i32>} : memref<400xi32, #tpu.memory_space<vmem>>, vector<16xi32>,
    %swap3A_551 = vector.shape_cast %swap3A_550 : vector<16xi32> to vector<16xi32>
    %swap3A_552 = vector.shape_cast %add3A_548 : vector<16xi32> to vector<16xi32>
    tpu.vector_store %arg5[%swap3A_549], %swap3A_552 {strides = array<i32>} : memref<400xi32, #tpu.memory_space<vmem>>, vector<16xi32>,
    %get3A_553 = arith.constant 48 : index
    %get3A_554 = tpu.vector_load %arg5[%get3A_553] {strides = array<i32>} : memref<400xi32, #tpu.memory_space<vmem>>, vector<16xi32>,
    %get3A_555 = vector.shape_cast %get3A_554 : vector<16xi32> to vector<16xi32>
    %add3A_556 = vector.broadcast %mul3A_2 : i32 to vector<16xi32>
    %add3A_557 = arith.addi %get3A_555, %add3A_556 : vector<16xi32>
    %swap3A_558 = arith.constant 48 : index
    %swap3A_559 = tpu.vector_load %arg5[%swap3A_558] {strides = array<i32>} : memref<400xi32, #tpu.memory_space<vmem>>, vector<16xi32>,
    %swap3A_560 = vector.shape_cast %swap3A_559 : vector<16xi32> to vector<16xi32>
    %swap3A_561 = vector.shape_cast %add3A_557 : vector<16xi32> to vector<16xi32>
    tpu.vector_store %arg5[%swap3A_558], %swap3A_561 {strides = array<i32>} : memref<400xi32, #tpu.memory_space<vmem>>, vector<16xi32>,
    %get3A_562 = arith.constant 64 : index
    %get3A_563 = tpu.vector_load %arg5[%get3A_562] {strides = array<i32>} : memref<400xi32, #tpu.memory_space<vmem>>, vector<16xi32>,
    %get3A_564 = vector.shape_cast %get3A_563 : vector<16xi32> to vector<16xi32>
    %add3A_565 = vector.broadcast %mul3A_2 : i32 to vector<16xi32>
    %add3A_566 = arith.addi %get3A_564, %add3A_565 : vector<16xi32>
    %swap3A_567 = arith.constant 64 : index
    %swap3A_568 = tpu.vector_load %arg5[%swap3A_567] {strides = array<i32>} : memref<400xi32, #tpu.memory_space<vmem>>, vector<16xi32>,
    %swap3A_569 = vector.shape_cast %swap3A_568 : vector<16xi32> to vector<16xi32>
    %swap3A_570 = vector.shape_cast %add3A_566 : vector<16xi32> to vector<16xi32>
    tpu.vector_store %arg5[%swap3A_567], %swap3A_570 {strides = array<i32>} : memref<400xi32, #tpu.memory_space<vmem>>, vector<16xi32>,
    %get3A_571 = arith.constant 80 : index
    %get3A_572 = tpu.vector_load %arg5[%get3A_571] {strides = array<i32>} : memref<400xi32, #tpu.memory_space<vmem>>, vector<16xi32>,
    %get3A_573 = vector.shape_cast %get3A_572 : vector<16xi32> to vector<16xi32>
    %add3A_574 = vector.broadcast %mul3A_2 : i32 to vector<16xi32>
    %add3A_575 = arith.addi %get3A_573, %add3A_574 : vector<16xi32>
    %swap3A_576 = arith.constant 80 : index
    %swap3A_577 = tpu.vector_load %arg5[%swap3A_576] {strides = array<i32>} : memref<400xi32, #tpu.memory_space<vmem>>, vector<16xi32>,
    %swap3A_578 = vector.shape_cast %swap3A_577 : vector<16xi32> to vector<16xi32>
    %swap3A_579 = vector.shape_cast %add3A_575 : vector<16xi32> to vector<16xi32>
    tpu.vector_store %arg5[%swap3A_576], %swap3A_579 {strides = array<i32>} : memref<400xi32, #tpu.memory_space<vmem>>, vector<16xi32>,
    %get3A_580 = arith.constant 96 : index
    %get3A_581 = tpu.vector_load %arg5[%get3A_580] {strides = array<i32>} : memref<400xi32, #tpu.memory_space<vmem>>, vector<16xi32>,
    %get3A_582 = vector.shape_cast %get3A_581 : vector<16xi32> to vector<16xi32>
    %add3A_583 = vector.broadcast %mul3A_2 : i32 to vector<16xi32>
    %add3A_584 = arith.addi %get3A_582, %add3A_583 : vector<16xi32>
    %swap3A_585 = arith.constant 96 : index
    %swap3A_586 = tpu.vector_load %arg5[%swap3A_585] {strides = array<i32>} : memref<400xi32, #tpu.memory_space<vmem>>, vector<16xi32>,
    %swap3A_587 = vector.shape_cast %swap3A_586 : vector<16xi32> to vector<16xi32>
    %swap3A_588 = vector.shape_cast %add3A_584 : vector<16xi32> to vector<16xi32>
    tpu.vector_store %arg5[%swap3A_585], %swap3A_588 {strides = array<i32>} : memref<400xi32, #tpu.memory_space<vmem>>, vector<16xi32>,
    %get3A_589 = arith.constant 112 : index
    %get3A_590 = tpu.vector_load %arg5[%get3A_589] {strides = array<i32>} : memref<400xi32, #tpu.memory_space<vmem>>, vector<16xi32>,
    %get3A_591 = vector.shape_cast %get3A_590 : vector<16xi32> to vector<16xi32>
    %add3A_592 = vector.broadcast %mul3A_2 : i32 to vector<16xi32>
    %add3A_593 = arith.addi %get3A_591, %add3A_592 : vector<16xi32>
    %swap3A_594 = arith.constant 112 : index
    %swap3A_595 = tpu.vector_load %arg5[%swap3A_594] {strides = array<i32>} : memref<400xi32, #tpu.memory_space<vmem>>, vector<16xi32>,
    %swap3A_596 = vector.shape_cast %swap3A_595 : vector<16xi32> to vector<16xi32>
    %swap3A_597 = vector.shape_cast %add3A_593 : vector<16xi32> to vector<16xi32>
    tpu.vector_store %arg5[%swap3A_594], %swap3A_597 {strides = array<i32>} : memref<400xi32, #tpu.memory_space<vmem>>, vector<16xi32>,
    %get3A_598 = arith.constant 128 : index
    %get3A_599 = tpu.vector_load %arg5[%get3A_598] {strides = array<i32>} : memref<400xi32, #tpu.memory_space<vmem>>, vector<16xi32>,
    %get3A_600 = vector.shape_cast %get3A_599 : vector<16xi32> to vector<16xi32>
    %add3A_601 = vector.broadcast %mul3A_2 : i32 to vector<16xi32>
    %add3A_602 = arith.addi %get3A_600, %add3A_601 : vector<16xi32>
    %swap3A_603 = arith.constant 128 : index
    %swap3A_604 = tpu.vector_load %arg5[%swap3A_603] {strides = array<i32>} : memref<400xi32, #tpu.memory_space<vmem>>, vector<16xi32>,
    %swap3A_605 = vector.shape_cast %swap3A_604 : vector<16xi32> to vector<16xi32>
    %swap3A_606 = vector.shape_cast %add3A_602 : vector<16xi32> to vector<16xi32>
    tpu.vector_store %arg5[%swap3A_603], %swap3A_606 {strides = array<i32>} : memref<400xi32, #tpu.memory_space<vmem>>, vector<16xi32>,
    %get3A_607 = arith.constant 144 : index
    %get3A_608 = tpu.vector_load %arg5[%get3A_607] {strides = array<i32>} : memref<400xi32, #tpu.memory_space<vmem>>, vector<16xi32>,
    %get3A_609 = vector.shape_cast %get3A_608 : vector<16xi32> to vector<16xi32>
    %add3A_610 = vector.broadcast %mul3A_2 : i32 to vector<16xi32>
    %add3A_611 = arith.addi %get3A_609, %add3A_610 : vector<16xi32>
    %swap3A_612 = arith.constant 144 : index
    %swap3A_613 = tpu.vector_load %arg5[%swap3A_612] {strides = array<i32>} : memref<400xi32, #tpu.memory_space<vmem>>, vector<16xi32>,
    %swap3A_614 = vector.shape_cast %swap3A_613 : vector<16xi32> to vector<16xi32>
    %swap3A_615 = vector.shape_cast %add3A_611 : vector<16xi32> to vector<16xi32>
    tpu.vector_store %arg5[%swap3A_612], %swap3A_615 {strides = array<i32>} : memref<400xi32, #tpu.memory_space<vmem>>, vector<16xi32>,
    %get3A_616 = arith.constant 160 : index
    %get3A_617 = tpu.vector_load %arg5[%get3A_616] {strides = array<i32>} : memref<400xi32, #tpu.memory_space<vmem>>, vector<16xi32>,
    %get3A_618 = vector.shape_cast %get3A_617 : vector<16xi32> to vector<16xi32>
    %add3A_619 = vector.broadcast %mul3A_2 : i32 to vector<16xi32>
    %add3A_620 = arith.addi %get3A_618, %add3A_619 : vector<16xi32>
    %swap3A_621 = arith.constant 160 : index
    %swap3A_622 = tpu.vector_load %arg5[%swap3A_621] {strides = array<i32>} : memref<400xi32, #tpu.memory_space<vmem>>, vector<16xi32>,
    %swap3A_623 = vector.shape_cast %swap3A_622 : vector<16xi32> to vector<16xi32>
    %swap3A_624 = vector.shape_cast %add3A_620 : vector<16xi32> to vector<16xi32>
    tpu.vector_store %arg5[%swap3A_621], %swap3A_624 {strides = array<i32>} : memref<400xi32, #tpu.memory_space<vmem>>, vector<16xi32>,
    %get3A_625 = arith.constant 176 : index
    %get3A_626 = tpu.vector_load %arg5[%get3A_625] {strides = array<i32>} : memref<400xi32, #tpu.memory_space<vmem>>, vector<16xi32>,
    %get3A_627 = vector.shape_cast %get3A_626 : vector<16xi32> to vector<16xi32>
    %add3A_628 = vector.broadcast %mul3A_2 : i32 to vector<16xi32>
    %add3A_629 = arith.addi %get3A_627, %add3A_628 : vector<16xi32>
    %swap3A_630 = arith.constant 176 : index
    %swap3A_631 = tpu.vector_load %arg5[%swap3A_630] {strides = array<i32>} : memref<400xi32, #tpu.memory_space<vmem>>, vector<16xi32>,
    %swap3A_632 = vector.shape_cast %swap3A_631 : vector<16xi32> to vector<16xi32>
    %swap3A_633 = vector.shape_cast %add3A_629 : vector<16xi32> to vector<16xi32>
    tpu.vector_store %arg5[%swap3A_630], %swap3A_633 {strides = array<i32>} : memref<400xi32, #tpu.memory_space<vmem>>, vector<16xi32>,
    %get3A_634 = arith.constant 192 : index
    %get3A_635 = tpu.vector_load %arg5[%get3A_634] {strides = array<i32>} : memref<400xi32, #tpu.memory_space<vmem>>, vector<16xi32>,
    %get3A_636 = vector.shape_cast %get3A_635 : vector<16xi32> to vector<16xi32>
    %add3A_637 = vector.broadcast %mul3A_2 : i32 to vector<16xi32>
    %add3A_638 = arith.addi %get3A_636, %add3A_637 : vector<16xi32>
    %swap3A_639 = arith.constant 192 : index
    %swap3A_640 = tpu.vector_load %arg5[%swap3A_639] {strides = array<i32>} : memref<400xi32, #tpu.memory_space<vmem>>, vector<16xi32>,
    %swap3A_641 = vector.shape_cast %swap3A_640 : vector<16xi32> to vector<16xi32>
    %swap3A_642 = vector.shape_cast %add3A_638 : vector<16xi32> to vector<16xi32>
    tpu.vector_store %arg5[%swap3A_639], %swap3A_642 {strides = array<i32>} : memref<400xi32, #tpu.memory_space<vmem>>, vector<16xi32>,
    %get3A_643 = arith.constant 208 : index
    %get3A_644 = tpu.vector_load %arg5[%get3A_643] {strides = array<i32>} : memref<400xi32, #tpu.memory_space<vmem>>, vector<16xi32>,
    %get3A_645 = vector.shape_cast %get3A_644 : vector<16xi32> to vector<16xi32>
    %add3A_646 = vector.broadcast %mul3A_2 : i32 to vector<16xi32>
    %add3A_647 = arith.addi %get3A_645, %add3A_646 : vector<16xi32>
    %swap3A_648 = arith.constant 208 : index
    %swap3A_649 = tpu.vector_load %arg5[%swap3A_648] {strides = array<i32>} : memref<400xi32, #tpu.memory_space<vmem>>, vector<16xi32>,
    %swap3A_650 = vector.shape_cast %swap3A_649 : vector<16xi32> to vector<16xi32>
    %swap3A_651 = vector.shape_cast %add3A_647 : vector<16xi32> to vector<16xi32>
    tpu.vector_store %arg5[%swap3A_648], %swap3A_651 {strides = array<i32>} : memref<400xi32, #tpu.memory_space<vmem>>, vector<16xi32>,
    %get3A_652 = arith.constant 224 : index
    %get3A_653 = tpu.vector_load %arg5[%get3A_652] {strides = array<i32>} : memref<400xi32, #tpu.memory_space<vmem>>, vector<16xi32>,
    %get3A_654 = vector.shape_cast %get3A_653 : vector<16xi32> to vector<16xi32>
    %add3A_655 = vector.broadcast %mul3A_2 : i32 to vector<16xi32>
    %add3A_656 = arith.addi %get3A_654, %add3A_655 : vector<16xi32>
    %swap3A_657 = arith.constant 224 : index
    %swap3A_658 = tpu.vector_load %arg5[%swap3A_657] {strides = array<i32>} : memref<400xi32, #tpu.memory_space<vmem>>, vector<16xi32>,
    %swap3A_659 = vector.shape_cast %swap3A_658 : vector<16xi32> to vector<16xi32>
    %swap3A_660 = vector.shape_cast %add3A_656 : vector<16xi32> to vector<16xi32>
    tpu.vector_store %arg5[%swap3A_657], %swap3A_660 {strides = array<i32>} : memref<400xi32, #tpu.memory_space<vmem>>, vector<16xi32>,
    %get3A_661 = arith.constant 240 : index
    %get3A_662 = tpu.vector_load %arg5[%get3A_661] {strides = array<i32>} : memref<400xi32, #tpu.memory_space<vmem>>, vector<16xi32>,
    %get3A_663 = vector.shape_cast %get3A_662 : vector<16xi32> to vector<16xi32>
    %add3A_664 = vector.broadcast %mul3A_2 : i32 to vector<16xi32>
    %add3A_665 = arith.addi %get3A_663, %add3A_664 : vector<16xi32>
    %swap3A_666 = arith.constant 240 : index
    %swap3A_667 = tpu.vector_load %arg5[%swap3A_666] {strides = array<i32>} : memref<400xi32, #tpu.memory_space<vmem>>, vector<16xi32>,
    %swap3A_668 = vector.shape_cast %swap3A_667 : vector<16xi32> to vector<16xi32>
    %swap3A_669 = vector.shape_cast %add3A_665 : vector<16xi32> to vector<16xi32>
    tpu.vector_store %arg5[%swap3A_666], %swap3A_669 {strides = array<i32>} : memref<400xi32, #tpu.memory_space<vmem>>, vector<16xi32>,
    %get3A_670 = arith.constant 256 : index
    %get3A_671 = tpu.vector_load %arg5[%get3A_670] {strides = array<i32>} : memref<400xi32, #tpu.memory_space<vmem>>, vector<16xi32>,
    %get3A_672 = vector.shape_cast %get3A_671 : vector<16xi32> to vector<16xi32>
    %add3A_673 = vector.broadcast %mul3A_2 : i32 to vector<16xi32>
    %add3A_674 = arith.addi %get3A_672, %add3A_673 : vector<16xi32>
    %swap3A_675 = arith.constant 256 : index
    %swap3A_676 = tpu.vector_load %arg5[%swap3A_675] {strides = array<i32>} : memref<400xi32, #tpu.memory_space<vmem>>, vector<16xi32>,
    %swap3A_677 = vector.shape_cast %swap3A_676 : vector<16xi32> to vector<16xi32>
    %swap3A_678 = vector.shape_cast %add3A_674 : vector<16xi32> to vector<16xi32>
    tpu.vector_store %arg5[%swap3A_675], %swap3A_678 {strides = array<i32>} : memref<400xi32, #tpu.memory_space<vmem>>, vector<16xi32>,
    %get3A_679 = arith.constant 272 : index
    %get3A_680 = tpu.vector_load %arg5[%get3A_679] {strides = array<i32>} : memref<400xi32, #tpu.memory_space<vmem>>, vector<16xi32>,
    %get3A_681 = vector.shape_cast %get3A_680 : vector<16xi32> to vector<16xi32>
    %add3A_682 = vector.broadcast %mul3A_2 : i32 to vector<16xi32>
    %add3A_683 = arith.addi %get3A_681, %add3A_682 : vector<16xi32>
    %swap3A_684 = arith.constant 272 : index
    %swap3A_685 = tpu.vector_load %arg5[%swap3A_684] {strides = array<i32>} : memref<400xi32, #tpu.memory_space<vmem>>, vector<16xi32>,
    %swap3A_686 = vector.shape_cast %swap3A_685 : vector<16xi32> to vector<16xi32>
    %swap3A_687 = vector.shape_cast %add3A_683 : vector<16xi32> to vector<16xi32>
    tpu.vector_store %arg5[%swap3A_684], %swap3A_687 {strides = array<i32>} : memref<400xi32, #tpu.memory_space<vmem>>, vector<16xi32>,
    %get3A_688 = arith.constant 288 : index
    %get3A_689 = tpu.vector_load %arg5[%get3A_688] {strides = array<i32>} : memref<400xi32, #tpu.memory_space<vmem>>, vector<16xi32>,
    %get3A_690 = vector.shape_cast %get3A_689 : vector<16xi32> to vector<16xi32>
    %add3A_691 = vector.broadcast %mul3A_2 : i32 to vector<16xi32>
    %add3A_692 = arith.addi %get3A_690, %add3A_691 : vector<16xi32>
    %swap3A_693 = arith.constant 288 : index
    %swap3A_694 = tpu.vector_load %arg5[%swap3A_693] {strides = array<i32>} : memref<400xi32, #tpu.memory_space<vmem>>, vector<16xi32>,
    %swap3A_695 = vector.shape_cast %swap3A_694 : vector<16xi32> to vector<16xi32>
    %swap3A_696 = vector.shape_cast %add3A_692 : vector<16xi32> to vector<16xi32>
    tpu.vector_store %arg5[%swap3A_693], %swap3A_696 {strides = array<i32>} : memref<400xi32, #tpu.memory_space<vmem>>, vector<16xi32>,
    %get3A_697 = arith.constant 304 : index
    %get3A_698 = tpu.vector_load %arg5[%get3A_697] {strides = array<i32>} : memref<400xi32, #tpu.memory_space<vmem>>, vector<16xi32>,
    %get3A_699 = vector.shape_cast %get3A_698 : vector<16xi32> to vector<16xi32>
    %add3A_700 = vector.broadcast %mul3A_2 : i32 to vector<16xi32>
    %add3A_701 = arith.addi %get3A_699, %add3A_700 : vector<16xi32>
    %swap3A_702 = arith.constant 304 : index
    %swap3A_703 = tpu.vector_load %arg5[%swap3A_702] {strides = array<i32>} : memref<400xi32, #tpu.memory_space<vmem>>, vector<16xi32>,
    %swap3A_704 = vector.shape_cast %swap3A_703 : vector<16xi32> to vector<16xi32>
    %swap3A_705 = vector.shape_cast %add3A_701 : vector<16xi32> to vector<16xi32>
    tpu.vector_store %arg5[%swap3A_702], %swap3A_705 {strides = array<i32>} : memref<400xi32, #tpu.memory_space<vmem>>, vector<16xi32>,
    %get3A_706 = arith.constant 320 : index
    %get3A_707 = tpu.vector_load %arg5[%get3A_706] {strides = array<i32>} : memref<400xi32, #tpu.memory_space<vmem>>, vector<16xi32>,
    %get3A_708 = vector.shape_cast %get3A_707 : vector<16xi32> to vector<16xi32>
    %add3A_709 = vector.broadcast %mul3A_2 : i32 to vector<16xi32>
    %add3A_710 = arith.addi %get3A_708, %add3A_709 : vector<16xi32>
    %swap3A_711 = arith.constant 320 : index
    %swap3A_712 = tpu.vector_load %arg5[%swap3A_711] {strides = array<i32>} : memref<400xi32, #tpu.memory_space<vmem>>, vector<16xi32>,
    %swap3A_713 = vector.shape_cast %swap3A_712 : vector<16xi32> to vector<16xi32>
    %swap3A_714 = vector.shape_cast %add3A_710 : vector<16xi32> to vector<16xi32>
    tpu.vector_store %arg5[%swap3A_711], %swap3A_714 {strides = array<i32>} : memref<400xi32, #tpu.memory_space<vmem>>, vector<16xi32>,
    %get3A_715 = arith.constant 336 : index
    %get3A_716 = tpu.vector_load %arg5[%get3A_715] {strides = array<i32>} : memref<400xi32, #tpu.memory_space<vmem>>, vector<16xi32>,
    %get3A_717 = vector.shape_cast %get3A_716 : vector<16xi32> to vector<16xi32>
    %add3A_718 = vector.broadcast %mul3A_2 : i32 to vector<16xi32>
    %add3A_719 = arith.addi %get3A_717, %add3A_718 : vector<16xi32>
    %swap3A_720 = arith.constant 336 : index
    %swap3A_721 = tpu.vector_load %arg5[%swap3A_720] {strides = array<i32>} : memref<400xi32, #tpu.memory_space<vmem>>, vector<16xi32>,
    %swap3A_722 = vector.shape_cast %swap3A_721 : vector<16xi32> to vector<16xi32>
    %swap3A_723 = vector.shape_cast %add3A_719 : vector<16xi32> to vector<16xi32>
    tpu.vector_store %arg5[%swap3A_720], %swap3A_723 {strides = array<i32>} : memref<400xi32, #tpu.memory_space<vmem>>, vector<16xi32>,
    %get3A_724 = arith.constant 352 : index
    %get3A_725 = tpu.vector_load %arg5[%get3A_724] {strides = array<i32>} : memref<400xi32, #tpu.memory_space<vmem>>, vector<16xi32>,
    %get3A_726 = vector.shape_cast %get3A_725 : vector<16xi32> to vector<16xi32>
    %add3A_727 = vector.broadcast %mul3A_2 : i32 to vector<16xi32>
    %add3A_728 = arith.addi %get3A_726, %add3A_727 : vector<16xi32>
    %swap3A_729 = arith.constant 352 : index
    %swap3A_730 = tpu.vector_load %arg5[%swap3A_729] {strides = array<i32>} : memref<400xi32, #tpu.memory_space<vmem>>, vector<16xi32>,
    %swap3A_731 = vector.shape_cast %swap3A_730 : vector<16xi32> to vector<16xi32>
    %swap3A_732 = vector.shape_cast %add3A_728 : vector<16xi32> to vector<16xi32>
    tpu.vector_store %arg5[%swap3A_729], %swap3A_732 {strides = array<i32>} : memref<400xi32, #tpu.memory_space<vmem>>, vector<16xi32>,
    %get3A_733 = arith.constant 368 : index
    %get3A_734 = tpu.vector_load %arg5[%get3A_733] {strides = array<i32>} : memref<400xi32, #tpu.memory_space<vmem>>, vector<16xi32>,
    %get3A_735 = vector.shape_cast %get3A_734 : vector<16xi32> to vector<16xi32>
    %add3A_736 = vector.broadcast %mul3A_2 : i32 to vector<16xi32>
    %add3A_737 = arith.addi %get3A_735, %add3A_736 : vector<16xi32>
    %swap3A_738 = arith.constant 368 : index
    %swap3A_739 = tpu.vector_load %arg5[%swap3A_738] {strides = array<i32>} : memref<400xi32, #tpu.memory_space<vmem>>, vector<16xi32>,
    %swap3A_740 = vector.shape_cast %swap3A_739 : vector<16xi32> to vector<16xi32>
    %swap3A_741 = vector.shape_cast %add3A_737 : vector<16xi32> to vector<16xi32>
    tpu.vector_store %arg5[%swap3A_738], %swap3A_741 {strides = array<i32>} : memref<400xi32, #tpu.memory_space<vmem>>, vector<16xi32>,
    %get3A_742 = arith.constant 384 : index
    %get3A_743 = tpu.vector_load %arg5[%get3A_742] {strides = array<i32>} : memref<400xi32, #tpu.memory_space<vmem>>, vector<16xi32>,
    %get3A_744 = vector.shape_cast %get3A_743 : vector<16xi32> to vector<16xi32>
    %add3A_745 = vector.broadcast %mul3A_2 : i32 to vector<16xi32>
    %add3A_746 = arith.addi %get3A_744, %add3A_745 : vector<16xi32>
    %swap3A_747 = arith.constant 384 : index
    %swap3A_748 = tpu.vector_load %arg5[%swap3A_747] {strides = array<i32>} : memref<400xi32, #tpu.memory_space<vmem>>, vector<16xi32>,
    %swap3A_749 = vector.shape_cast %swap3A_748 : vector<16xi32> to vector<16xi32>
    %swap3A_750 = vector.shape_cast %add3A_746 : vector<16xi32> to vector<16xi32>
    tpu.vector_store %arg5[%swap3A_747], %swap3A_750 {strides = array<i32>} : memref<400xi32, #tpu.memory_space<vmem>>, vector<16xi32>,
    %dma_wait3A_751 = arith.constant 1 : i32
    %dma_wait3A_752 = arith.constant 0 : i32
    %dma_wait3A_753 = arith.constant 0 : i32
    %dma_wait3A_754 = tpu.memref_slice %arg7[%dma_wait3A_751, %dma_wait3A_752, %dma_wait3A_753] : memref<2x400x128xf32, #tpu.memory_space<vmem>> -> memref<1x400x128xf32, #tpu.memory_space<vmem>>
    %dma_wait3A_755 = tpu.memref_squeeze %dma_wait3A_754 : memref<1x400x128xf32, #tpu.memory_space<vmem>> -> memref<400x128xf32, #tpu.memory_space<vmem>>
    %dma_wait3A_756 = arith.constant 0 : i32
    %dma_wait3A_757 = arith.constant 0 : i32
    %dma_wait3A_758 = tpu.memref_slice %arg8[%dma_wait3A_756, %dma_wait3A_757] : memref<512x128xf32, #tpu.memory_space<vmem_shared>> -> memref<512x128xf32, #tpu.memory_space<vmem_shared>>
    tpu.wait_indirect_dma semaphore(%arg9 : memref<!tpu.dma_semaphore, #tpu.memory_space<semaphore_mem>>) src(%dma_wait3A_758 : memref<512x128xf32, #tpu.memory_space<vmem_shared>>) dst(%dma_wait3A_755 : memref<400x128xf32, #tpu.memory_space<vmem>>)
    %add3A_759 = arith.constant 96 : i32
    %add3A_760 = arith.addi %add3A_759, %add3A : i32
    %mul3A_761 = arith.constant 400 : i32
    %mul3A_762 = arith.muli %add3A_760, %mul3A_761 : i32
    %dma_start3A_763 = tpu.memref_slice %arg3[%mul3A_762] : memref<1600000xi32, #tpu.memory_space<hbm>> -> memref<400xi32, #tpu.memory_space<hbm>>
    %dma_start3A_764 = tpu.memref_slice %arg3[%mul3A_762] : memref<1600000xi32, #tpu.memory_space<hbm>> -> memref<400xi32, #tpu.memory_space<hbm>>
    tpu.enqueue_dma source(%dma_start3A_764 : memref<400xi32, #tpu.memory_space<hbm>>) target(%arg6 : memref<400xi32, #tpu.memory_space<vmem>>) target_semaphore(%arg13 : memref<!tpu.dma_semaphore, #tpu.memory_space<semaphore_mem>>)
    %dma_start3A_765 = arith.constant 1 : i32
    %dma_start3A_766 = arith.constant 0 : i32
    %dma_start3A_767 = arith.constant 0 : i32
    %dma_start3A_768 = tpu.memref_slice %arg7[%dma_start3A_765, %dma_start3A_766, %dma_start3A_767] : memref<2x400x128xf32, #tpu.memory_space<vmem>> -> memref<1x400x128xf32, #tpu.memory_space<vmem>>
    %dma_start3A_769 = tpu.memref_squeeze %dma_start3A_768 : memref<1x400x128xf32, #tpu.memory_space<vmem>> -> memref<400x128xf32, #tpu.memory_space<vmem>>
    %dma_start3A_770 = arith.constant 0 : i32
    %dma_start3A_771 = tpu.memref_slice %arg4[%mul3A_513, %dma_start3A_770] : memref<1600000x128xf32, #tpu.memory_space<hbm>> -> memref<400x128xf32, #tpu.memory_space<hbm>>
    %dma_start3A_772 = arith.constant 0 : i32
    %dma_start3A_773 = tpu.memref_slice %arg4[%mul3A_513, %dma_start3A_772] : memref<1600000x128xf32, #tpu.memory_space<hbm>> -> memref<400x128xf32, #tpu.memory_space<hbm>>
    %dma_start3A_774 = arith.constant 0 : i32
    %dma_start3A_775 = arith.constant 0 : i32
    %dma_start3A_776 = tpu.memref_slice %arg7[%dma_start3A_765, %dma_start3A_774, %dma_start3A_775] : memref<2x400x128xf32, #tpu.memory_space<vmem>> -> memref<1x400x128xf32, #tpu.memory_space<vmem>>
    %dma_start3A_777 = tpu.memref_squeeze %dma_start3A_776 : memref<1x400x128xf32, #tpu.memory_space<vmem>> -> memref<400x128xf32, #tpu.memory_space<vmem>>
    tpu.enqueue_dma source(%dma_start3A_777 : memref<400x128xf32, #tpu.memory_space<vmem>>) target(%dma_start3A_773 : memref<400x128xf32, #tpu.memory_space<hbm>>) target_semaphore(%arg11 : memref<!tpu.dma_semaphore, #tpu.memory_space<semaphore_mem>>)
    %scan3A = arith.constant 0 : i32
    %scan3A_778 = arith.constant 61 : i32
    %scan3A_779 = arith.addi %scan3A, %scan3A_778 : i32
    %scan3A_780 = arith.constant 1 : i32
    scf.for %scan3A_860 = %scan3A to %scan3A_779 step %scan3A_780  : i32 {
      %mul3A_861 = arith.constant 2 : i32
      %mul3A_862 = arith.muli %scan3A_860, %mul3A_861 : i32
      %add3A_863 = arith.constant 2 : i32
      %add3A_864 = arith.addi %add3A_863, %mul3A_862 : i32
      %add3A_865 = arith.constant 0 : i32
      %add3A_866 = arith.addi %add3A_864, %add3A_865 : i32
      %mul3A_867 = arith.constant 32 : i32
      %mul3A_868 = arith.muli %add3A_866, %mul3A_867 : i32
      %add3A_869 = arith.addi %mul3A_868, %add3A : i32
      %mul3A_870 = arith.constant 400 : i32
      %mul3A_871 = arith.muli %add3A_869, %mul3A_870 : i32
      %dma_wait3A_872 = arith.constant 0 : i32
      %dma_wait3A_873 = arith.constant 0 : i32
      %dma_wait3A_874 = arith.constant 0 : i32
      %dma_wait3A_875 = tpu.memref_slice %arg7[%dma_wait3A_872, %dma_wait3A_873, %dma_wait3A_874] : memref<2x400x128xf32, #tpu.memory_space<vmem>> -> memref<1x400x128xf32, #tpu.memory_space<vmem>>
      %dma_wait3A_876 = tpu.memref_squeeze %dma_wait3A_875 : memref<1x400x128xf32, #tpu.memory_space<vmem>> -> memref<400x128xf32, #tpu.memory_space<vmem>>
      %dma_wait3A_877 = arith.constant 0 : i32
      %dma_wait3A_878 = arith.constant 0 : i32
      %dma_wait3A_879 = tpu.memref_slice %arg4[%dma_wait3A_877, %dma_wait3A_878] : memref<1600000x128xf32, #tpu.memory_space<hbm>> -> memref<400x128xf32, #tpu.memory_space<hbm>>
      %dma_wait3A_880 = arith.constant 0 : i32
      %dma_wait3A_881 = arith.constant 0 : i32
      %dma_wait3A_882 = tpu.memref_slice %arg4[%dma_wait3A_880, %dma_wait3A_881] : memref<1600000x128xf32, #tpu.memory_space<hbm>> -> memref<400x128xf32, #tpu.memory_space<hbm>>
      %dma_wait3A_883 = arith.constant 0 : i32
      %dma_wait3A_884 = arith.constant 0 : i32
      %dma_wait3A_885 = tpu.memref_slice %arg7[%dma_wait3A_872, %dma_wait3A_883, %dma_wait3A_884] : memref<2x400x128xf32, #tpu.memory_space<vmem>> -> memref<1x400x128xf32, #tpu.memory_space<vmem>>
      %dma_wait3A_886 = tpu.memref_squeeze %dma_wait3A_885 : memref<1x400x128xf32, #tpu.memory_space<vmem>> -> memref<400x128xf32, #tpu.memory_space<vmem>>
      tpu.wait_dma2 semaphore(%arg10 : memref<!tpu.dma_semaphore, #tpu.memory_space<semaphore_mem>>) src(%dma_wait3A_886 : memref<400x128xf32, #tpu.memory_space<vmem>>) dst(%dma_wait3A_882 : memref<400x128xf32, #tpu.memory_space<hbm>>)
      %dma_start3A_887 = arith.constant 0 : i32
      %dma_start3A_888 = arith.constant 0 : i32
      %dma_start3A_889 = arith.constant 0 : i32
      %dma_start3A_890 = tpu.memref_slice %arg7[%dma_start3A_887, %dma_start3A_888, %dma_start3A_889] : memref<2x400x128xf32, #tpu.memory_space<vmem>> -> memref<1x400x128xf32, #tpu.memory_space<vmem>>
      %dma_start3A_891 = tpu.memref_squeeze %dma_start3A_890 : memref<1x400x128xf32, #tpu.memory_space<vmem>> -> memref<400x128xf32, #tpu.memory_space<vmem>>
      %dma_start3A_892 = arith.constant 0 : i32
      %dma_start3A_893 = arith.constant 0 : i32
      %dma_start3A_894 = tpu.memref_slice %arg8[%dma_start3A_892, %dma_start3A_893] : memref<512x128xf32, #tpu.memory_space<vmem_shared>> -> memref<512x128xf32, #tpu.memory_space<vmem_shared>>
      tpu.enqueue_indirect_dma source(%dma_start3A_894 : memref<512x128xf32, #tpu.memory_space<vmem_shared>>) target(%dma_start3A_891 : memref<400x128xf32, #tpu.memory_space<vmem>>) offsets(%arg5 : memref<400xi32, #tpu.memory_space<vmem>>) semaphore(%arg9 : memref<!tpu.dma_semaphore, #tpu.memory_space<semaphore_mem>>)
      %add3A_895 = arith.constant 1 : i32
      %add3A_896 = arith.addi %add3A_866, %add3A_895 : i32
      %lt3A = arith.constant 125 : i32
      %lt3A_897 = arith.cmpi slt, %add3A_896, %lt3A : i32
      %convert_element_type3A_898 = arith.extui %lt3A_897 : i1 to i32
      %cond3A_899 = arith.constant 0 : i32
      %cond3A_900 = arith.cmpi ne, %convert_element_type3A_898, %cond3A_899 : i32
      scf.if %cond3A_900 {
        %dma_wait3A_998 = arith.constant 0 : i32
        %dma_wait3A_999 = tpu.memref_slice %arg3[%dma_wait3A_998] : memref<1600000xi32, #tpu.memory_space<hbm>> -> memref<400xi32, #tpu.memory_space<hbm>>
        %dma_wait3A_1000 = arith.constant 0 : i32
        %dma_wait3A_1001 = tpu.memref_slice %arg3[%dma_wait3A_1000] : memref<1600000xi32, #tpu.memory_space<hbm>> -> memref<400xi32, #tpu.memory_space<hbm>>
        tpu.wait_dma2 semaphore(%arg13 : memref<!tpu.dma_semaphore, #tpu.memory_space<semaphore_mem>>) src(%dma_wait3A_1001 : memref<400xi32, #tpu.memory_space<hbm>>) dst(%arg6 : memref<400xi32, #tpu.memory_space<vmem>>)
        %get3A_1002 = arith.constant 0 : index
        %get3A_1003 = tpu.vector_load %arg6[%get3A_1002] {strides = array<i32>} : memref<400xi32, #tpu.memory_space<vmem>>, vector<16xi32>,
        %get3A_1004 = vector.shape_cast %get3A_1003 : vector<16xi32> to vector<16xi32>
        %add3A_1005 = vector.broadcast %mul3A_2 : i32 to vector<16xi32>
        %add3A_1006 = arith.addi %get3A_1004, %add3A_1005 : vector<16xi32>
        %swap3A_1007 = arith.constant 0 : index
        %swap3A_1008 = tpu.vector_load %arg6[%swap3A_1007] {strides = array<i32>} : memref<400xi32, #tpu.memory_space<vmem>>, vector<16xi32>,
        %swap3A_1009 = vector.shape_cast %swap3A_1008 : vector<16xi32> to vector<16xi32>
        %swap3A_1010 = vector.shape_cast %add3A_1006 : vector<16xi32> to vector<16xi32>
        tpu.vector_store %arg6[%swap3A_1007], %swap3A_1010 {strides = array<i32>} : memref<400xi32, #tpu.memory_space<vmem>>, vector<16xi32>,
        %get3A_1011 = arith.constant 16 : index
        %get3A_1012 = tpu.vector_load %arg6[%get3A_1011] {strides = array<i32>} : memref<400xi32, #tpu.memory_space<vmem>>, vector<16xi32>,
        %get3A_1013 = vector.shape_cast %get3A_1012 : vector<16xi32> to vector<16xi32>
        %add3A_1014 = vector.broadcast %mul3A_2 : i32 to vector<16xi32>
        %add3A_1015 = arith.addi %get3A_1013, %add3A_1014 : vector<16xi32>
        %swap3A_1016 = arith.constant 16 : index
        %swap3A_1017 = tpu.vector_load %arg6[%swap3A_1016] {strides = array<i32>} : memref<400xi32, #tpu.memory_space<vmem>>, vector<16xi32>,
        %swap3A_1018 = vector.shape_cast %swap3A_1017 : vector<16xi32> to vector<16xi32>
        %swap3A_1019 = vector.shape_cast %add3A_1015 : vector<16xi32> to vector<16xi32>
        tpu.vector_store %arg6[%swap3A_1016], %swap3A_1019 {strides = array<i32>} : memref<400xi32, #tpu.memory_space<vmem>>, vector<16xi32>,
        %get3A_1020 = arith.constant 32 : index
        %get3A_1021 = tpu.vector_load %arg6[%get3A_1020] {strides = array<i32>} : memref<400xi32, #tpu.memory_space<vmem>>, vector<16xi32>,
        %get3A_1022 = vector.shape_cast %get3A_1021 : vector<16xi32> to vector<16xi32>
        %add3A_1023 = vector.broadcast %mul3A_2 : i32 to vector<16xi32>
        %add3A_1024 = arith.addi %get3A_1022, %add3A_1023 : vector<16xi32>
        %swap3A_1025 = arith.constant 32 : index
        %swap3A_1026 = tpu.vector_load %arg6[%swap3A_1025] {strides = array<i32>} : memref<400xi32, #tpu.memory_space<vmem>>, vector<16xi32>,
        %swap3A_1027 = vector.shape_cast %swap3A_1026 : vector<16xi32> to vector<16xi32>
        %swap3A_1028 = vector.shape_cast %add3A_1024 : vector<16xi32> to vector<16xi32>
        tpu.vector_store %arg6[%swap3A_1025], %swap3A_1028 {strides = array<i32>} : memref<400xi32, #tpu.memory_space<vmem>>, vector<16xi32>,
        %get3A_1029 = arith.constant 48 : index
        %get3A_1030 = tpu.vector_load %arg6[%get3A_1029] {strides = array<i32>} : memref<400xi32, #tpu.memory_space<vmem>>, vector<16xi32>,
        %get3A_1031 = vector.shape_cast %get3A_1030 : vector<16xi32> to vector<16xi32>
        %add3A_1032 = vector.broadcast %mul3A_2 : i32 to vector<16xi32>
        %add3A_1033 = arith.addi %get3A_1031, %add3A_1032 : vector<16xi32>
        %swap3A_1034 = arith.constant 48 : index
        %swap3A_1035 = tpu.vector_load %arg6[%swap3A_1034] {strides = array<i32>} : memref<400xi32, #tpu.memory_space<vmem>>, vector<16xi32>,
        %swap3A_1036 = vector.shape_cast %swap3A_1035 : vector<16xi32> to vector<16xi32>
        %swap3A_1037 = vector.shape_cast %add3A_1033 : vector<16xi32> to vector<16xi32>
        tpu.vector_store %arg6[%swap3A_1034], %swap3A_1037 {strides = array<i32>} : memref<400xi32, #tpu.memory_space<vmem>>, vector<16xi32>,
        %get3A_1038 = arith.constant 64 : index
        %get3A_1039 = tpu.vector_load %arg6[%get3A_1038] {strides = array<i32>} : memref<400xi32, #tpu.memory_space<vmem>>, vector<16xi32>,
        %get3A_1040 = vector.shape_cast %get3A_1039 : vector<16xi32> to vector<16xi32>
        %add3A_1041 = vector.broadcast %mul3A_2 : i32 to vector<16xi32>
        %add3A_1042 = arith.addi %get3A_1040, %add3A_1041 : vector<16xi32>
        %swap3A_1043 = arith.constant 64 : index
        %swap3A_1044 = tpu.vector_load %arg6[%swap3A_1043] {strides = array<i32>} : memref<400xi32, #tpu.memory_space<vmem>>, vector<16xi32>,
        %swap3A_1045 = vector.shape_cast %swap3A_1044 : vector<16xi32> to vector<16xi32>
        %swap3A_1046 = vector.shape_cast %add3A_1042 : vector<16xi32> to vector<16xi32>
        tpu.vector_store %arg6[%swap3A_1043], %swap3A_1046 {strides = array<i32>} : memref<400xi32, #tpu.memory_space<vmem>>, vector<16xi32>,
        %get3A_1047 = arith.constant 80 : index
        %get3A_1048 = tpu.vector_load %arg6[%get3A_1047] {strides = array<i32>} : memref<400xi32, #tpu.memory_space<vmem>>, vector<16xi32>,
        %get3A_1049 = vector.shape_cast %get3A_1048 : vector<16xi32> to vector<16xi32>
        %add3A_1050 = vector.broadcast %mul3A_2 : i32 to vector<16xi32>
        %add3A_1051 = arith.addi %get3A_1049, %add3A_1050 : vector<16xi32>
        %swap3A_1052 = arith.constant 80 : index
        %swap3A_1053 = tpu.vector_load %arg6[%swap3A_1052] {strides = array<i32>} : memref<400xi32, #tpu.memory_space<vmem>>, vector<16xi32>,
        %swap3A_1054 = vector.shape_cast %swap3A_1053 : vector<16xi32> to vector<16xi32>
        %swap3A_1055 = vector.shape_cast %add3A_1051 : vector<16xi32> to vector<16xi32>
        tpu.vector_store %arg6[%swap3A_1052], %swap3A_1055 {strides = array<i32>} : memref<400xi32, #tpu.memory_space<vmem>>, vector<16xi32>,
        %get3A_1056 = arith.constant 96 : index
        %get3A_1057 = tpu.vector_load %arg6[%get3A_1056] {strides = array<i32>} : memref<400xi32, #tpu.memory_space<vmem>>, vector<16xi32>,
        %get3A_1058 = vector.shape_cast %get3A_1057 : vector<16xi32> to vector<16xi32>
        %add3A_1059 = vector.broadcast %mul3A_2 : i32 to vector<16xi32>
        %add3A_1060 = arith.addi %get3A_1058, %add3A_1059 : vector<16xi32>
        %swap3A_1061 = arith.constant 96 : index
        %swap3A_1062 = tpu.vector_load %arg6[%swap3A_1061] {strides = array<i32>} : memref<400xi32, #tpu.memory_space<vmem>>, vector<16xi32>,
        %swap3A_1063 = vector.shape_cast %swap3A_1062 : vector<16xi32> to vector<16xi32>
        %swap3A_1064 = vector.shape_cast %add3A_1060 : vector<16xi32> to vector<16xi32>
        tpu.vector_store %arg6[%swap3A_1061], %swap3A_1064 {strides = array<i32>} : memref<400xi32, #tpu.memory_space<vmem>>, vector<16xi32>,
        %get3A_1065 = arith.constant 112 : index
        %get3A_1066 = tpu.vector_load %arg6[%get3A_1065] {strides = array<i32>} : memref<400xi32, #tpu.memory_space<vmem>>, vector<16xi32>,
        %get3A_1067 = vector.shape_cast %get3A_1066 : vector<16xi32> to vector<16xi32>
        %add3A_1068 = vector.broadcast %mul3A_2 : i32 to vector<16xi32>
        %add3A_1069 = arith.addi %get3A_1067, %add3A_1068 : vector<16xi32>
        %swap3A_1070 = arith.constant 112 : index
        %swap3A_1071 = tpu.vector_load %arg6[%swap3A_1070] {strides = array<i32>} : memref<400xi32, #tpu.memory_space<vmem>>, vector<16xi32>,
        %swap3A_1072 = vector.shape_cast %swap3A_1071 : vector<16xi32> to vector<16xi32>
        %swap3A_1073 = vector.shape_cast %add3A_1069 : vector<16xi32> to vector<16xi32>
        tpu.vector_store %arg6[%swap3A_1070], %swap3A_1073 {strides = array<i32>} : memref<400xi32, #tpu.memory_space<vmem>>, vector<16xi32>,
        %get3A_1074 = arith.constant 128 : index
        %get3A_1075 = tpu.vector_load %arg6[%get3A_1074] {strides = array<i32>} : memref<400xi32, #tpu.memory_space<vmem>>, vector<16xi32>,
        %get3A_1076 = vector.shape_cast %get3A_1075 : vector<16xi32> to vector<16xi32>
        %add3A_1077 = vector.broadcast %mul3A_2 : i32 to vector<16xi32>
        %add3A_1078 = arith.addi %get3A_1076, %add3A_1077 : vector<16xi32>
        %swap3A_1079 = arith.constant 128 : index
        %swap3A_1080 = tpu.vector_load %arg6[%swap3A_1079] {strides = array<i32>} : memref<400xi32, #tpu.memory_space<vmem>>, vector<16xi32>,
        %swap3A_1081 = vector.shape_cast %swap3A_1080 : vector<16xi32> to vector<16xi32>
        %swap3A_1082 = vector.shape_cast %add3A_1078 : vector<16xi32> to vector<16xi32>
        tpu.vector_store %arg6[%swap3A_1079], %swap3A_1082 {strides = array<i32>} : memref<400xi32, #tpu.memory_space<vmem>>, vector<16xi32>,
        %get3A_1083 = arith.constant 144 : index
        %get3A_1084 = tpu.vector_load %arg6[%get3A_1083] {strides = array<i32>} : memref<400xi32, #tpu.memory_space<vmem>>, vector<16xi32>,
        %get3A_1085 = vector.shape_cast %get3A_1084 : vector<16xi32> to vector<16xi32>
        %add3A_1086 = vector.broadcast %mul3A_2 : i32 to vector<16xi32>
        %add3A_1087 = arith.addi %get3A_1085, %add3A_1086 : vector<16xi32>
        %swap3A_1088 = arith.constant 144 : index
        %swap3A_1089 = tpu.vector_load %arg6[%swap3A_1088] {strides = array<i32>} : memref<400xi32, #tpu.memory_space<vmem>>, vector<16xi32>,
        %swap3A_1090 = vector.shape_cast %swap3A_1089 : vector<16xi32> to vector<16xi32>
        %swap3A_1091 = vector.shape_cast %add3A_1087 : vector<16xi32> to vector<16xi32>
        tpu.vector_store %arg6[%swap3A_1088], %swap3A_1091 {strides = array<i32>} : memref<400xi32, #tpu.memory_space<vmem>>, vector<16xi32>,
        %get3A_1092 = arith.constant 160 : index
        %get3A_1093 = tpu.vector_load %arg6[%get3A_1092] {strides = array<i32>} : memref<400xi32, #tpu.memory_space<vmem>>, vector<16xi32>,
        %get3A_1094 = vector.shape_cast %get3A_1093 : vector<16xi32> to vector<16xi32>
        %add3A_1095 = vector.broadcast %mul3A_2 : i32 to vector<16xi32>
        %add3A_1096 = arith.addi %get3A_1094, %add3A_1095 : vector<16xi32>
        %swap3A_1097 = arith.constant 160 : index
        %swap3A_1098 = tpu.vector_load %arg6[%swap3A_1097] {strides = array<i32>} : memref<400xi32, #tpu.memory_space<vmem>>, vector<16xi32>,
        %swap3A_1099 = vector.shape_cast %swap3A_1098 : vector<16xi32> to vector<16xi32>
        %swap3A_1100 = vector.shape_cast %add3A_1096 : vector<16xi32> to vector<16xi32>
        tpu.vector_store %arg6[%swap3A_1097], %swap3A_1100 {strides = array<i32>} : memref<400xi32, #tpu.memory_space<vmem>>, vector<16xi32>,
        %get3A_1101 = arith.constant 176 : index
        %get3A_1102 = tpu.vector_load %arg6[%get3A_1101] {strides = array<i32>} : memref<400xi32, #tpu.memory_space<vmem>>, vector<16xi32>,
        %get3A_1103 = vector.shape_cast %get3A_1102 : vector<16xi32> to vector<16xi32>
        %add3A_1104 = vector.broadcast %mul3A_2 : i32 to vector<16xi32>
        %add3A_1105 = arith.addi %get3A_1103, %add3A_1104 : vector<16xi32>
        %swap3A_1106 = arith.constant 176 : index
        %swap3A_1107 = tpu.vector_load %arg6[%swap3A_1106] {strides = array<i32>} : memref<400xi32, #tpu.memory_space<vmem>>, vector<16xi32>,
        %swap3A_1108 = vector.shape_cast %swap3A_1107 : vector<16xi32> to vector<16xi32>
        %swap3A_1109 = vector.shape_cast %add3A_1105 : vector<16xi32> to vector<16xi32>
        tpu.vector_store %arg6[%swap3A_1106], %swap3A_1109 {strides = array<i32>} : memref<400xi32, #tpu.memory_space<vmem>>, vector<16xi32>,
        %get3A_1110 = arith.constant 192 : index
        %get3A_1111 = tpu.vector_load %arg6[%get3A_1110] {strides = array<i32>} : memref<400xi32, #tpu.memory_space<vmem>>, vector<16xi32>,
        %get3A_1112 = vector.shape_cast %get3A_1111 : vector<16xi32> to vector<16xi32>
        %add3A_1113 = vector.broadcast %mul3A_2 : i32 to vector<16xi32>
        %add3A_1114 = arith.addi %get3A_1112, %add3A_1113 : vector<16xi32>
        %swap3A_1115 = arith.constant 192 : index
        %swap3A_1116 = tpu.vector_load %arg6[%swap3A_1115] {strides = array<i32>} : memref<400xi32, #tpu.memory_space<vmem>>, vector<16xi32>,
        %swap3A_1117 = vector.shape_cast %swap3A_1116 : vector<16xi32> to vector<16xi32>
        %swap3A_1118 = vector.shape_cast %add3A_1114 : vector<16xi32> to vector<16xi32>
        tpu.vector_store %arg6[%swap3A_1115], %swap3A_1118 {strides = array<i32>} : memref<400xi32, #tpu.memory_space<vmem>>, vector<16xi32>,
        %get3A_1119 = arith.constant 208 : index
        %get3A_1120 = tpu.vector_load %arg6[%get3A_1119] {strides = array<i32>} : memref<400xi32, #tpu.memory_space<vmem>>, vector<16xi32>,
        %get3A_1121 = vector.shape_cast %get3A_1120 : vector<16xi32> to vector<16xi32>
        %add3A_1122 = vector.broadcast %mul3A_2 : i32 to vector<16xi32>
        %add3A_1123 = arith.addi %get3A_1121, %add3A_1122 : vector<16xi32>
        %swap3A_1124 = arith.constant 208 : index
        %swap3A_1125 = tpu.vector_load %arg6[%swap3A_1124] {strides = array<i32>} : memref<400xi32, #tpu.memory_space<vmem>>, vector<16xi32>,
        %swap3A_1126 = vector.shape_cast %swap3A_1125 : vector<16xi32> to vector<16xi32>
        %swap3A_1127 = vector.shape_cast %add3A_1123 : vector<16xi32> to vector<16xi32>
        tpu.vector_store %arg6[%swap3A_1124], %swap3A_1127 {strides = array<i32>} : memref<400xi32, #tpu.memory_space<vmem>>, vector<16xi32>,
        %get3A_1128 = arith.constant 224 : index
        %get3A_1129 = tpu.vector_load %arg6[%get3A_1128] {strides = array<i32>} : memref<400xi32, #tpu.memory_space<vmem>>, vector<16xi32>,
        %get3A_1130 = vector.shape_cast %get3A_1129 : vector<16xi32> to vector<16xi32>
        %add3A_1131 = vector.broadcast %mul3A_2 : i32 to vector<16xi32>
        %add3A_1132 = arith.addi %get3A_1130, %add3A_1131 : vector<16xi32>
        %swap3A_1133 = arith.constant 224 : index
        %swap3A_1134 = tpu.vector_load %arg6[%swap3A_1133] {strides = array<i32>} : memref<400xi32, #tpu.memory_space<vmem>>, vector<16xi32>,
        %swap3A_1135 = vector.shape_cast %swap3A_1134 : vector<16xi32> to vector<16xi32>
        %swap3A_1136 = vector.shape_cast %add3A_1132 : vector<16xi32> to vector<16xi32>
        tpu.vector_store %arg6[%swap3A_1133], %swap3A_1136 {strides = array<i32>} : memref<400xi32, #tpu.memory_space<vmem>>, vector<16xi32>,
        %get3A_1137 = arith.constant 240 : index
        %get3A_1138 = tpu.vector_load %arg6[%get3A_1137] {strides = array<i32>} : memref<400xi32, #tpu.memory_space<vmem>>, vector<16xi32>,
        %get3A_1139 = vector.shape_cast %get3A_1138 : vector<16xi32> to vector<16xi32>
        %add3A_1140 = vector.broadcast %mul3A_2 : i32 to vector<16xi32>
        %add3A_1141 = arith.addi %get3A_1139, %add3A_1140 : vector<16xi32>
        %swap3A_1142 = arith.constant 240 : index
        %swap3A_1143 = tpu.vector_load %arg6[%swap3A_1142] {strides = array<i32>} : memref<400xi32, #tpu.memory_space<vmem>>, vector<16xi32>,
        %swap3A_1144 = vector.shape_cast %swap3A_1143 : vector<16xi32> to vector<16xi32>
        %swap3A_1145 = vector.shape_cast %add3A_1141 : vector<16xi32> to vector<16xi32>
        tpu.vector_store %arg6[%swap3A_1142], %swap3A_1145 {strides = array<i32>} : memref<400xi32, #tpu.memory_space<vmem>>, vector<16xi32>,
        %get3A_1146 = arith.constant 256 : index
        %get3A_1147 = tpu.vector_load %arg6[%get3A_1146] {strides = array<i32>} : memref<400xi32, #tpu.memory_space<vmem>>, vector<16xi32>,
        %get3A_1148 = vector.shape_cast %get3A_1147 : vector<16xi32> to vector<16xi32>
        %add3A_1149 = vector.broadcast %mul3A_2 : i32 to vector<16xi32>
        %add3A_1150 = arith.addi %get3A_1148, %add3A_1149 : vector<16xi32>
        %swap3A_1151 = arith.constant 256 : index
        %swap3A_1152 = tpu.vector_load %arg6[%swap3A_1151] {strides = array<i32>} : memref<400xi32, #tpu.memory_space<vmem>>, vector<16xi32>,
        %swap3A_1153 = vector.shape_cast %swap3A_1152 : vector<16xi32> to vector<16xi32>
        %swap3A_1154 = vector.shape_cast %add3A_1150 : vector<16xi32> to vector<16xi32>
        tpu.vector_store %arg6[%swap3A_1151], %swap3A_1154 {strides = array<i32>} : memref<400xi32, #tpu.memory_space<vmem>>, vector<16xi32>,
        %get3A_1155 = arith.constant 272 : index
        %get3A_1156 = tpu.vector_load %arg6[%get3A_1155] {strides = array<i32>} : memref<400xi32, #tpu.memory_space<vmem>>, vector<16xi32>,
        %get3A_1157 = vector.shape_cast %get3A_1156 : vector<16xi32> to vector<16xi32>
        %add3A_1158 = vector.broadcast %mul3A_2 : i32 to vector<16xi32>
        %add3A_1159 = arith.addi %get3A_1157, %add3A_1158 : vector<16xi32>
        %swap3A_1160 = arith.constant 272 : index
        %swap3A_1161 = tpu.vector_load %arg6[%swap3A_1160] {strides = array<i32>} : memref<400xi32, #tpu.memory_space<vmem>>, vector<16xi32>,
        %swap3A_1162 = vector.shape_cast %swap3A_1161 : vector<16xi32> to vector<16xi32>
        %swap3A_1163 = vector.shape_cast %add3A_1159 : vector<16xi32> to vector<16xi32>
        tpu.vector_store %arg6[%swap3A_1160], %swap3A_1163 {strides = array<i32>} : memref<400xi32, #tpu.memory_space<vmem>>, vector<16xi32>,
        %get3A_1164 = arith.constant 288 : index
        %get3A_1165 = tpu.vector_load %arg6[%get3A_1164] {strides = array<i32>} : memref<400xi32, #tpu.memory_space<vmem>>, vector<16xi32>,
        %get3A_1166 = vector.shape_cast %get3A_1165 : vector<16xi32> to vector<16xi32>
        %add3A_1167 = vector.broadcast %mul3A_2 : i32 to vector<16xi32>
        %add3A_1168 = arith.addi %get3A_1166, %add3A_1167 : vector<16xi32>
        %swap3A_1169 = arith.constant 288 : index
        %swap3A_1170 = tpu.vector_load %arg6[%swap3A_1169] {strides = array<i32>} : memref<400xi32, #tpu.memory_space<vmem>>, vector<16xi32>,
        %swap3A_1171 = vector.shape_cast %swap3A_1170 : vector<16xi32> to vector<16xi32>
        %swap3A_1172 = vector.shape_cast %add3A_1168 : vector<16xi32> to vector<16xi32>
        tpu.vector_store %arg6[%swap3A_1169], %swap3A_1172 {strides = array<i32>} : memref<400xi32, #tpu.memory_space<vmem>>, vector<16xi32>,
        %get3A_1173 = arith.constant 304 : index
        %get3A_1174 = tpu.vector_load %arg6[%get3A_1173] {strides = array<i32>} : memref<400xi32, #tpu.memory_space<vmem>>, vector<16xi32>,
        %get3A_1175 = vector.shape_cast %get3A_1174 : vector<16xi32> to vector<16xi32>
        %add3A_1176 = vector.broadcast %mul3A_2 : i32 to vector<16xi32>
        %add3A_1177 = arith.addi %get3A_1175, %add3A_1176 : vector<16xi32>
        %swap3A_1178 = arith.constant 304 : index
        %swap3A_1179 = tpu.vector_load %arg6[%swap3A_1178] {strides = array<i32>} : memref<400xi32, #tpu.memory_space<vmem>>, vector<16xi32>,
        %swap3A_1180 = vector.shape_cast %swap3A_1179 : vector<16xi32> to vector<16xi32>
        %swap3A_1181 = vector.shape_cast %add3A_1177 : vector<16xi32> to vector<16xi32>
        tpu.vector_store %arg6[%swap3A_1178], %swap3A_1181 {strides = array<i32>} : memref<400xi32, #tpu.memory_space<vmem>>, vector<16xi32>,
        %get3A_1182 = arith.constant 320 : index
        %get3A_1183 = tpu.vector_load %arg6[%get3A_1182] {strides = array<i32>} : memref<400xi32, #tpu.memory_space<vmem>>, vector<16xi32>,
        %get3A_1184 = vector.shape_cast %get3A_1183 : vector<16xi32> to vector<16xi32>
        %add3A_1185 = vector.broadcast %mul3A_2 : i32 to vector<16xi32>
        %add3A_1186 = arith.addi %get3A_1184, %add3A_1185 : vector<16xi32>
        %swap3A_1187 = arith.constant 320 : index
        %swap3A_1188 = tpu.vector_load %arg6[%swap3A_1187] {strides = array<i32>} : memref<400xi32, #tpu.memory_space<vmem>>, vector<16xi32>,
        %swap3A_1189 = vector.shape_cast %swap3A_1188 : vector<16xi32> to vector<16xi32>
        %swap3A_1190 = vector.shape_cast %add3A_1186 : vector<16xi32> to vector<16xi32>
        tpu.vector_store %arg6[%swap3A_1187], %swap3A_1190 {strides = array<i32>} : memref<400xi32, #tpu.memory_space<vmem>>, vector<16xi32>,
        %get3A_1191 = arith.constant 336 : index
        %get3A_1192 = tpu.vector_load %arg6[%get3A_1191] {strides = array<i32>} : memref<400xi32, #tpu.memory_space<vmem>>, vector<16xi32>,
        %get3A_1193 = vector.shape_cast %get3A_1192 : vector<16xi32> to vector<16xi32>
        %add3A_1194 = vector.broadcast %mul3A_2 : i32 to vector<16xi32>
        %add3A_1195 = arith.addi %get3A_1193, %add3A_1194 : vector<16xi32>
        %swap3A_1196 = arith.constant 336 : index
        %swap3A_1197 = tpu.vector_load %arg6[%swap3A_1196] {strides = array<i32>} : memref<400xi32, #tpu.memory_space<vmem>>, vector<16xi32>,
        %swap3A_1198 = vector.shape_cast %swap3A_1197 : vector<16xi32> to vector<16xi32>
        %swap3A_1199 = vector.shape_cast %add3A_1195 : vector<16xi32> to vector<16xi32>
        tpu.vector_store %arg6[%swap3A_1196], %swap3A_1199 {strides = array<i32>} : memref<400xi32, #tpu.memory_space<vmem>>, vector<16xi32>,
        %get3A_1200 = arith.constant 352 : index
        %get3A_1201 = tpu.vector_load %arg6[%get3A_1200] {strides = array<i32>} : memref<400xi32, #tpu.memory_space<vmem>>, vector<16xi32>,
        %get3A_1202 = vector.shape_cast %get3A_1201 : vector<16xi32> to vector<16xi32>
        %add3A_1203 = vector.broadcast %mul3A_2 : i32 to vector<16xi32>
        %add3A_1204 = arith.addi %get3A_1202, %add3A_1203 : vector<16xi32>
        %swap3A_1205 = arith.constant 352 : index
        %swap3A_1206 = tpu.vector_load %arg6[%swap3A_1205] {strides = array<i32>} : memref<400xi32, #tpu.memory_space<vmem>>, vector<16xi32>,
        %swap3A_1207 = vector.shape_cast %swap3A_1206 : vector<16xi32> to vector<16xi32>
        %swap3A_1208 = vector.shape_cast %add3A_1204 : vector<16xi32> to vector<16xi32>
        tpu.vector_store %arg6[%swap3A_1205], %swap3A_1208 {strides = array<i32>} : memref<400xi32, #tpu.memory_space<vmem>>, vector<16xi32>,
        %get3A_1209 = arith.constant 368 : index
        %get3A_1210 = tpu.vector_load %arg6[%get3A_1209] {strides = array<i32>} : memref<400xi32, #tpu.memory_space<vmem>>, vector<16xi32>,
        %get3A_1211 = vector.shape_cast %get3A_1210 : vector<16xi32> to vector<16xi32>
        %add3A_1212 = vector.broadcast %mul3A_2 : i32 to vector<16xi32>
        %add3A_1213 = arith.addi %get3A_1211, %add3A_1212 : vector<16xi32>
        %swap3A_1214 = arith.constant 368 : index
        %swap3A_1215 = tpu.vector_load %arg6[%swap3A_1214] {strides = array<i32>} : memref<400xi32, #tpu.memory_space<vmem>>, vector<16xi32>,
        %swap3A_1216 = vector.shape_cast %swap3A_1215 : vector<16xi32> to vector<16xi32>
        %swap3A_1217 = vector.shape_cast %add3A_1213 : vector<16xi32> to vector<16xi32>
        tpu.vector_store %arg6[%swap3A_1214], %swap3A_1217 {strides = array<i32>} : memref<400xi32, #tpu.memory_space<vmem>>, vector<16xi32>,
        %get3A_1218 = arith.constant 384 : index
        %get3A_1219 = tpu.vector_load %arg6[%get3A_1218] {strides = array<i32>} : memref<400xi32, #tpu.memory_space<vmem>>, vector<16xi32>,
        %get3A_1220 = vector.shape_cast %get3A_1219 : vector<16xi32> to vector<16xi32>
        %add3A_1221 = vector.broadcast %mul3A_2 : i32 to vector<16xi32>
        %add3A_1222 = arith.addi %get3A_1220, %add3A_1221 : vector<16xi32>
        %swap3A_1223 = arith.constant 384 : index
        %swap3A_1224 = tpu.vector_load %arg6[%swap3A_1223] {strides = array<i32>} : memref<400xi32, #tpu.memory_space<vmem>>, vector<16xi32>,
        %swap3A_1225 = vector.shape_cast %swap3A_1224 : vector<16xi32> to vector<16xi32>
        %swap3A_1226 = vector.shape_cast %add3A_1222 : vector<16xi32> to vector<16xi32>
        tpu.vector_store %arg6[%swap3A_1223], %swap3A_1226 {strides = array<i32>} : memref<400xi32, #tpu.memory_space<vmem>>, vector<16xi32>,
      } else {
      }
      %dma_wait3A_901 = arith.constant 0 : i32
      %dma_wait3A_902 = arith.constant 0 : i32
      %dma_wait3A_903 = arith.constant 0 : i32
      %dma_wait3A_904 = tpu.memref_slice %arg7[%dma_wait3A_901, %dma_wait3A_902, %dma_wait3A_903] : memref<2x400x128xf32, #tpu.memory_space<vmem>> -> memref<1x400x128xf32, #tpu.memory_space<vmem>>
      %dma_wait3A_905 = tpu.memref_squeeze %dma_wait3A_904 : memref<1x400x128xf32, #tpu.memory_space<vmem>> -> memref<400x128xf32, #tpu.memory_space<vmem>>
      %dma_wait3A_906 = arith.constant 0 : i32
      %dma_wait3A_907 = arith.constant 0 : i32
      %dma_wait3A_908 = tpu.memref_slice %arg8[%dma_wait3A_906, %dma_wait3A_907] : memref<512x128xf32, #tpu.memory_space<vmem_shared>> -> memref<512x128xf32, #tpu.memory_space<vmem_shared>>
      tpu.wait_indirect_dma semaphore(%arg9 : memref<!tpu.dma_semaphore, #tpu.memory_space<semaphore_mem>>) src(%dma_wait3A_908 : memref<512x128xf32, #tpu.memory_space<vmem_shared>>) dst(%dma_wait3A_905 : memref<400x128xf32, #tpu.memory_space<vmem>>)
      %add3A_909 = arith.constant 2 : i32
      %add3A_910 = arith.addi %add3A_866, %add3A_909 : i32
      %lt3A_911 = arith.constant 125 : i32
      %lt3A_912 = arith.cmpi slt, %add3A_910, %lt3A_911 : i32
      %convert_element_type3A_913 = arith.extui %lt3A_912 : i1 to i32
      %cond3A_914 = arith.constant 0 : i32
      %cond3A_915 = arith.cmpi ne, %convert_element_type3A_913, %cond3A_914 : i32
      scf.if %cond3A_915 {
        %add3A_998 = arith.constant 2 : i32
        %add3A_999 = arith.addi %add3A_866, %add3A_998 : i32
        %mul3A_1000 = arith.constant 32 : i32
        %mul3A_1001 = arith.muli %add3A_999, %mul3A_1000 : i32
        %add3A_1002 = arith.addi %mul3A_1001, %add3A : i32
        %mul3A_1003 = arith.constant 400 : i32
        %mul3A_1004 = arith.muli %add3A_1002, %mul3A_1003 : i32
        %dma_start3A_1005 = tpu.memref_slice %arg3[%mul3A_1004] : memref<1600000xi32, #tpu.memory_space<hbm>> -> memref<400xi32, #tpu.memory_space<hbm>>
        %dma_start3A_1006 = tpu.memref_slice %arg3[%mul3A_1004] : memref<1600000xi32, #tpu.memory_space<hbm>> -> memref<400xi32, #tpu.memory_space<hbm>>
        tpu.enqueue_dma source(%dma_start3A_1006 : memref<400xi32, #tpu.memory_space<hbm>>) target(%arg5 : memref<400xi32, #tpu.memory_space<vmem>>) target_semaphore(%arg12 : memref<!tpu.dma_semaphore, #tpu.memory_space<semaphore_mem>>)
      } else {
      }
      %dma_start3A_916 = arith.constant 0 : i32
      %dma_start3A_917 = arith.constant 0 : i32
      %dma_start3A_918 = arith.constant 0 : i32
      %dma_start3A_919 = tpu.memref_slice %arg7[%dma_start3A_916, %dma_start3A_917, %dma_start3A_918] : memref<2x400x128xf32, #tpu.memory_space<vmem>> -> memref<1x400x128xf32, #tpu.memory_space<vmem>>
      %dma_start3A_920 = tpu.memref_squeeze %dma_start3A_919 : memref<1x400x128xf32, #tpu.memory_space<vmem>> -> memref<400x128xf32, #tpu.memory_space<vmem>>
      %dma_start3A_921 = arith.constant 0 : i32
      %dma_start3A_922 = tpu.memref_slice %arg4[%mul3A_871, %dma_start3A_921] : memref<1600000x128xf32, #tpu.memory_space<hbm>> -> memref<400x128xf32, #tpu.memory_space<hbm>>
      %dma_start3A_923 = arith.constant 0 : i32
      %dma_start3A_924 = tpu.memref_slice %arg4[%mul3A_871, %dma_start3A_923] : memref<1600000x128xf32, #tpu.memory_space<hbm>> -> memref<400x128xf32, #tpu.memory_space<hbm>>
      %dma_start3A_925 = arith.constant 0 : i32
      %dma_start3A_926 = arith.constant 0 : i32
      %dma_start3A_927 = tpu.memref_slice %arg7[%dma_start3A_916, %dma_start3A_925, %dma_start3A_926] : memref<2x400x128xf32, #tpu.memory_space<vmem>> -> memref<1x400x128xf32, #tpu.memory_space<vmem>>
      %dma_start3A_928 = tpu.memref_squeeze %dma_start3A_927 : memref<1x400x128xf32, #tpu.memory_space<vmem>> -> memref<400x128xf32, #tpu.memory_space<vmem>>
      tpu.enqueue_dma source(%dma_start3A_928 : memref<400x128xf32, #tpu.memory_space<vmem>>) target(%dma_start3A_924 : memref<400x128xf32, #tpu.memory_space<hbm>>) target_semaphore(%arg10 : memref<!tpu.dma_semaphore, #tpu.memory_space<semaphore_mem>>)
      %mul3A_929 = arith.constant 2 : i32
      %mul3A_930 = arith.muli %scan3A_860, %mul3A_929 : i32
      %add3A_931 = arith.constant 2 : i32
      %add3A_932 = arith.addi %add3A_931, %mul3A_930 : i32
      %add3A_933 = arith.constant 1 : i32
      %add3A_934 = arith.addi %add3A_932, %add3A_933 : i32
      %mul3A_935 = arith.constant 32 : i32
      %mul3A_936 = arith.muli %add3A_934, %mul3A_935 : i32
      %add3A_937 = arith.addi %mul3A_936, %add3A : i32
      %mul3A_938 = arith.constant 400 : i32
      %mul3A_939 = arith.muli %add3A_937, %mul3A_938 : i32
      %dma_wait3A_940 = arith.constant 1 : i32
      %dma_wait3A_941 = arith.constant 0 : i32
      %dma_wait3A_942 = arith.constant 0 : i32
      %dma_wait3A_943 = tpu.memref_slice %arg7[%dma_wait3A_940, %dma_wait3A_941, %dma_wait3A_942] : memref<2x400x128xf32, #tpu.memory_space<vmem>> -> memref<1x400x128xf32, #tpu.memory_space<vmem>>
      %dma_wait3A_944 = tpu.memref_squeeze %dma_wait3A_943 : memref<1x400x128xf32, #tpu.memory_space<vmem>> -> memref<400x128xf32, #tpu.memory_space<vmem>>
      %dma_wait3A_945 = arith.constant 0 : i32
      %dma_wait3A_946 = arith.constant 0 : i32
      %dma_wait3A_947 = tpu.memref_slice %arg4[%dma_wait3A_945, %dma_wait3A_946] : memref<1600000x128xf32, #tpu.memory_space<hbm>> -> memref<400x128xf32, #tpu.memory_space<hbm>>
      %dma_wait3A_948 = arith.constant 0 : i32
      %dma_wait3A_949 = arith.constant 0 : i32
      %dma_wait3A_950 = tpu.memref_slice %arg4[%dma_wait3A_948, %dma_wait3A_949] : memref<1600000x128xf32, #tpu.memory_space<hbm>> -> memref<400x128xf32, #tpu.memory_space<hbm>>
      %dma_wait3A_951 = arith.constant 0 : i32
      %dma_wait3A_952 = arith.constant 0 : i32
      %dma_wait3A_953 = tpu.memref_slice %arg7[%dma_wait3A_940, %dma_wait3A_951, %dma_wait3A_952] : memref<2x400x128xf32, #tpu.memory_space<vmem>> -> memref<1x400x128xf32, #tpu.memory_space<vmem>>
      %dma_wait3A_954 = tpu.memref_squeeze %dma_wait3A_953 : memref<1x400x128xf32, #tpu.memory_space<vmem>> -> memref<400x128xf32, #tpu.memory_space<vmem>>
      tpu.wait_dma2 semaphore(%arg11 : memref<!tpu.dma_semaphore, #tpu.memory_space<semaphore_mem>>) src(%dma_wait3A_954 : memref<400x128xf32, #tpu.memory_space<vmem>>) dst(%dma_wait3A_950 : memref<400x128xf32, #tpu.memory_space<hbm>>)
      %dma_start3A_955 = arith.constant 1 : i32
      %dma_start3A_956 = arith.constant 0 : i32
      %dma_start3A_957 = arith.constant 0 : i32
      %dma_start3A_958 = tpu.memref_slice %arg7[%dma_start3A_955, %dma_start3A_956, %dma_start3A_957] : memref<2x400x128xf32, #tpu.memory_space<vmem>> -> memref<1x400x128xf32, #tpu.memory_space<vmem>>
      %dma_start3A_959 = tpu.memref_squeeze %dma_start3A_958 : memref<1x400x128xf32, #tpu.memory_space<vmem>> -> memref<400x128xf32, #tpu.memory_space<vmem>>
      %dma_start3A_960 = arith.constant 0 : i32
      %dma_start3A_961 = arith.constant 0 : i32
      %dma_start3A_962 = tpu.memref_slice %arg8[%dma_start3A_960, %dma_start3A_961] : memref<512x128xf32, #tpu.memory_space<vmem_shared>> -> memref<512x128xf32, #tpu.memory_space<vmem_shared>>
      tpu.enqueue_indirect_dma source(%dma_start3A_962 : memref<512x128xf32, #tpu.memory_space<vmem_shared>>) target(%dma_start3A_959 : memref<400x128xf32, #tpu.memory_space<vmem>>) offsets(%arg6 : memref<400xi32, #tpu.memory_space<vmem>>) semaphore(%arg9 : memref<!tpu.dma_semaphore, #tpu.memory_space<semaphore_mem>>)
      %add3A_963 = arith.constant 1 : i32
      %add3A_964 = arith.addi %add3A_934, %add3A_963 : i32
      %lt3A_965 = arith.constant 125 : i32
      %lt3A_966 = arith.cmpi slt, %add3A_964, %lt3A_965 : i32
      %convert_element_type3A_967 = arith.extui %lt3A_966 : i1 to i32
      %cond3A_968 = arith.constant 0 : i32
      %cond3A_969 = arith.cmpi ne, %convert_element_type3A_967, %cond3A_968 : i32
      scf.if %cond3A_969 {
        %dma_wait3A_998 = arith.constant 0 : i32
        %dma_wait3A_999 = tpu.memref_slice %arg3[%dma_wait3A_998] : memref<1600000xi32, #tpu.memory_space<hbm>> -> memref<400xi32, #tpu.memory_space<hbm>>
        %dma_wait3A_1000 = arith.constant 0 : i32
        %dma_wait3A_1001 = tpu.memref_slice %arg3[%dma_wait3A_1000] : memref<1600000xi32, #tpu.memory_space<hbm>> -> memref<400xi32, #tpu.memory_space<hbm>>
        tpu.wait_dma2 semaphore(%arg12 : memref<!tpu.dma_semaphore, #tpu.memory_space<semaphore_mem>>) src(%dma_wait3A_1001 : memref<400xi32, #tpu.memory_space<hbm>>) dst(%arg5 : memref<400xi32, #tpu.memory_space<vmem>>)
        %get3A_1002 = arith.constant 0 : index
        %get3A_1003 = tpu.vector_load %arg5[%get3A_1002] {strides = array<i32>} : memref<400xi32, #tpu.memory_space<vmem>>, vector<16xi32>,
        %get3A_1004 = vector.shape_cast %get3A_1003 : vector<16xi32> to vector<16xi32>
        %add3A_1005 = vector.broadcast %mul3A_2 : i32 to vector<16xi32>
        %add3A_1006 = arith.addi %get3A_1004, %add3A_1005 : vector<16xi32>
        %swap3A_1007 = arith.constant 0 : index
        %swap3A_1008 = tpu.vector_load %arg5[%swap3A_1007] {strides = array<i32>} : memref<400xi32, #tpu.memory_space<vmem>>, vector<16xi32>,
        %swap3A_1009 = vector.shape_cast %swap3A_1008 : vector<16xi32> to vector<16xi32>
        %swap3A_1010 = vector.shape_cast %add3A_1006 : vector<16xi32> to vector<16xi32>
        tpu.vector_store %arg5[%swap3A_1007], %swap3A_1010 {strides = array<i32>} : memref<400xi32, #tpu.memory_space<vmem>>, vector<16xi32>,
        %get3A_1011 = arith.constant 16 : index
        %get3A_1012 = tpu.vector_load %arg5[%get3A_1011] {strides = array<i32>} : memref<400xi32, #tpu.memory_space<vmem>>, vector<16xi32>,
        %get3A_1013 = vector.shape_cast %get3A_1012 : vector<16xi32> to vector<16xi32>
        %add3A_1014 = vector.broadcast %mul3A_2 : i32 to vector<16xi32>
        %add3A_1015 = arith.addi %get3A_1013, %add3A_1014 : vector<16xi32>
        %swap3A_1016 = arith.constant 16 : index
        %swap3A_1017 = tpu.vector_load %arg5[%swap3A_1016] {strides = array<i32>} : memref<400xi32, #tpu.memory_space<vmem>>, vector<16xi32>,
        %swap3A_1018 = vector.shape_cast %swap3A_1017 : vector<16xi32> to vector<16xi32>
        %swap3A_1019 = vector.shape_cast %add3A_1015 : vector<16xi32> to vector<16xi32>
        tpu.vector_store %arg5[%swap3A_1016], %swap3A_1019 {strides = array<i32>} : memref<400xi32, #tpu.memory_space<vmem>>, vector<16xi32>,
        %get3A_1020 = arith.constant 32 : index
        %get3A_1021 = tpu.vector_load %arg5[%get3A_1020] {strides = array<i32>} : memref<400xi32, #tpu.memory_space<vmem>>, vector<16xi32>,
        %get3A_1022 = vector.shape_cast %get3A_1021 : vector<16xi32> to vector<16xi32>
        %add3A_1023 = vector.broadcast %mul3A_2 : i32 to vector<16xi32>
        %add3A_1024 = arith.addi %get3A_1022, %add3A_1023 : vector<16xi32>
        %swap3A_1025 = arith.constant 32 : index
        %swap3A_1026 = tpu.vector_load %arg5[%swap3A_1025] {strides = array<i32>} : memref<400xi32, #tpu.memory_space<vmem>>, vector<16xi32>,
        %swap3A_1027 = vector.shape_cast %swap3A_1026 : vector<16xi32> to vector<16xi32>
        %swap3A_1028 = vector.shape_cast %add3A_1024 : vector<16xi32> to vector<16xi32>
        tpu.vector_store %arg5[%swap3A_1025], %swap3A_1028 {strides = array<i32>} : memref<400xi32, #tpu.memory_space<vmem>>, vector<16xi32>,
        %get3A_1029 = arith.constant 48 : index
        %get3A_1030 = tpu.vector_load %arg5[%get3A_1029] {strides = array<i32>} : memref<400xi32, #tpu.memory_space<vmem>>, vector<16xi32>,
        %get3A_1031 = vector.shape_cast %get3A_1030 : vector<16xi32> to vector<16xi32>
        %add3A_1032 = vector.broadcast %mul3A_2 : i32 to vector<16xi32>
        %add3A_1033 = arith.addi %get3A_1031, %add3A_1032 : vector<16xi32>
        %swap3A_1034 = arith.constant 48 : index
        %swap3A_1035 = tpu.vector_load %arg5[%swap3A_1034] {strides = array<i32>} : memref<400xi32, #tpu.memory_space<vmem>>, vector<16xi32>,
        %swap3A_1036 = vector.shape_cast %swap3A_1035 : vector<16xi32> to vector<16xi32>
        %swap3A_1037 = vector.shape_cast %add3A_1033 : vector<16xi32> to vector<16xi32>
        tpu.vector_store %arg5[%swap3A_1034], %swap3A_1037 {strides = array<i32>} : memref<400xi32, #tpu.memory_space<vmem>>, vector<16xi32>,
        %get3A_1038 = arith.constant 64 : index
        %get3A_1039 = tpu.vector_load %arg5[%get3A_1038] {strides = array<i32>} : memref<400xi32, #tpu.memory_space<vmem>>, vector<16xi32>,
        %get3A_1040 = vector.shape_cast %get3A_1039 : vector<16xi32> to vector<16xi32>
        %add3A_1041 = vector.broadcast %mul3A_2 : i32 to vector<16xi32>
        %add3A_1042 = arith.addi %get3A_1040, %add3A_1041 : vector<16xi32>
        %swap3A_1043 = arith.constant 64 : index
        %swap3A_1044 = tpu.vector_load %arg5[%swap3A_1043] {strides = array<i32>} : memref<400xi32, #tpu.memory_space<vmem>>, vector<16xi32>,
        %swap3A_1045 = vector.shape_cast %swap3A_1044 : vector<16xi32> to vector<16xi32>
        %swap3A_1046 = vector.shape_cast %add3A_1042 : vector<16xi32> to vector<16xi32>
        tpu.vector_store %arg5[%swap3A_1043], %swap3A_1046 {strides = array<i32>} : memref<400xi32, #tpu.memory_space<vmem>>, vector<16xi32>,
        %get3A_1047 = arith.constant 80 : index
        %get3A_1048 = tpu.vector_load %arg5[%get3A_1047] {strides = array<i32>} : memref<400xi32, #tpu.memory_space<vmem>>, vector<16xi32>,
        %get3A_1049 = vector.shape_cast %get3A_1048 : vector<16xi32> to vector<16xi32>
        %add3A_1050 = vector.broadcast %mul3A_2 : i32 to vector<16xi32>
        %add3A_1051 = arith.addi %get3A_1049, %add3A_1050 : vector<16xi32>
        %swap3A_1052 = arith.constant 80 : index
        %swap3A_1053 = tpu.vector_load %arg5[%swap3A_1052] {strides = array<i32>} : memref<400xi32, #tpu.memory_space<vmem>>, vector<16xi32>,
        %swap3A_1054 = vector.shape_cast %swap3A_1053 : vector<16xi32> to vector<16xi32>
        %swap3A_1055 = vector.shape_cast %add3A_1051 : vector<16xi32> to vector<16xi32>
        tpu.vector_store %arg5[%swap3A_1052], %swap3A_1055 {strides = array<i32>} : memref<400xi32, #tpu.memory_space<vmem>>, vector<16xi32>,
        %get3A_1056 = arith.constant 96 : index
        %get3A_1057 = tpu.vector_load %arg5[%get3A_1056] {strides = array<i32>} : memref<400xi32, #tpu.memory_space<vmem>>, vector<16xi32>,
        %get3A_1058 = vector.shape_cast %get3A_1057 : vector<16xi32> to vector<16xi32>
        %add3A_1059 = vector.broadcast %mul3A_2 : i32 to vector<16xi32>
        %add3A_1060 = arith.addi %get3A_1058, %add3A_1059 : vector<16xi32>
        %swap3A_1061 = arith.constant 96 : index
        %swap3A_1062 = tpu.vector_load %arg5[%swap3A_1061] {strides = array<i32>} : memref<400xi32, #tpu.memory_space<vmem>>, vector<16xi32>,
        %swap3A_1063 = vector.shape_cast %swap3A_1062 : vector<16xi32> to vector<16xi32>
        %swap3A_1064 = vector.shape_cast %add3A_1060 : vector<16xi32> to vector<16xi32>
        tpu.vector_store %arg5[%swap3A_1061], %swap3A_1064 {strides = array<i32>} : memref<400xi32, #tpu.memory_space<vmem>>, vector<16xi32>,
        %get3A_1065 = arith.constant 112 : index
        %get3A_1066 = tpu.vector_load %arg5[%get3A_1065] {strides = array<i32>} : memref<400xi32, #tpu.memory_space<vmem>>, vector<16xi32>,
        %get3A_1067 = vector.shape_cast %get3A_1066 : vector<16xi32> to vector<16xi32>
        %add3A_1068 = vector.broadcast %mul3A_2 : i32 to vector<16xi32>
        %add3A_1069 = arith.addi %get3A_1067, %add3A_1068 : vector<16xi32>
        %swap3A_1070 = arith.constant 112 : index
        %swap3A_1071 = tpu.vector_load %arg5[%swap3A_1070] {strides = array<i32>} : memref<400xi32, #tpu.memory_space<vmem>>, vector<16xi32>,
        %swap3A_1072 = vector.shape_cast %swap3A_1071 : vector<16xi32> to vector<16xi32>
        %swap3A_1073 = vector.shape_cast %add3A_1069 : vector<16xi32> to vector<16xi32>
        tpu.vector_store %arg5[%swap3A_1070], %swap3A_1073 {strides = array<i32>} : memref<400xi32, #tpu.memory_space<vmem>>, vector<16xi32>,
        %get3A_1074 = arith.constant 128 : index
        %get3A_1075 = tpu.vector_load %arg5[%get3A_1074] {strides = array<i32>} : memref<400xi32, #tpu.memory_space<vmem>>, vector<16xi32>,
        %get3A_1076 = vector.shape_cast %get3A_1075 : vector<16xi32> to vector<16xi32>
        %add3A_1077 = vector.broadcast %mul3A_2 : i32 to vector<16xi32>
        %add3A_1078 = arith.addi %get3A_1076, %add3A_1077 : vector<16xi32>
        %swap3A_1079 = arith.constant 128 : index
        %swap3A_1080 = tpu.vector_load %arg5[%swap3A_1079] {strides = array<i32>} : memref<400xi32, #tpu.memory_space<vmem>>, vector<16xi32>,
        %swap3A_1081 = vector.shape_cast %swap3A_1080 : vector<16xi32> to vector<16xi32>
        %swap3A_1082 = vector.shape_cast %add3A_1078 : vector<16xi32> to vector<16xi32>
        tpu.vector_store %arg5[%swap3A_1079], %swap3A_1082 {strides = array<i32>} : memref<400xi32, #tpu.memory_space<vmem>>, vector<16xi32>,
        %get3A_1083 = arith.constant 144 : index
        %get3A_1084 = tpu.vector_load %arg5[%get3A_1083] {strides = array<i32>} : memref<400xi32, #tpu.memory_space<vmem>>, vector<16xi32>,
        %get3A_1085 = vector.shape_cast %get3A_1084 : vector<16xi32> to vector<16xi32>
        %add3A_1086 = vector.broadcast %mul3A_2 : i32 to vector<16xi32>
        %add3A_1087 = arith.addi %get3A_1085, %add3A_1086 : vector<16xi32>
        %swap3A_1088 = arith.constant 144 : index
        %swap3A_1089 = tpu.vector_load %arg5[%swap3A_1088] {strides = array<i32>} : memref<400xi32, #tpu.memory_space<vmem>>, vector<16xi32>,
        %swap3A_1090 = vector.shape_cast %swap3A_1089 : vector<16xi32> to vector<16xi32>
        %swap3A_1091 = vector.shape_cast %add3A_1087 : vector<16xi32> to vector<16xi32>
        tpu.vector_store %arg5[%swap3A_1088], %swap3A_1091 {strides = array<i32>} : memref<400xi32, #tpu.memory_space<vmem>>, vector<16xi32>,
        %get3A_1092 = arith.constant 160 : index
        %get3A_1093 = tpu.vector_load %arg5[%get3A_1092] {strides = array<i32>} : memref<400xi32, #tpu.memory_space<vmem>>, vector<16xi32>,
        %get3A_1094 = vector.shape_cast %get3A_1093 : vector<16xi32> to vector<16xi32>
        %add3A_1095 = vector.broadcast %mul3A_2 : i32 to vector<16xi32>
        %add3A_1096 = arith.addi %get3A_1094, %add3A_1095 : vector<16xi32>
        %swap3A_1097 = arith.constant 160 : index
        %swap3A_1098 = tpu.vector_load %arg5[%swap3A_1097] {strides = array<i32>} : memref<400xi32, #tpu.memory_space<vmem>>, vector<16xi32>,
        %swap3A_1099 = vector.shape_cast %swap3A_1098 : vector<16xi32> to vector<16xi32>
        %swap3A_1100 = vector.shape_cast %add3A_1096 : vector<16xi32> to vector<16xi32>
        tpu.vector_store %arg5[%swap3A_1097], %swap3A_1100 {strides = array<i32>} : memref<400xi32, #tpu.memory_space<vmem>>, vector<16xi32>,
        %get3A_1101 = arith.constant 176 : index
        %get3A_1102 = tpu.vector_load %arg5[%get3A_1101] {strides = array<i32>} : memref<400xi32, #tpu.memory_space<vmem>>, vector<16xi32>,
        %get3A_1103 = vector.shape_cast %get3A_1102 : vector<16xi32> to vector<16xi32>
        %add3A_1104 = vector.broadcast %mul3A_2 : i32 to vector<16xi32>
        %add3A_1105 = arith.addi %get3A_1103, %add3A_1104 : vector<16xi32>
        %swap3A_1106 = arith.constant 176 : index
        %swap3A_1107 = tpu.vector_load %arg5[%swap3A_1106] {strides = array<i32>} : memref<400xi32, #tpu.memory_space<vmem>>, vector<16xi32>,
        %swap3A_1108 = vector.shape_cast %swap3A_1107 : vector<16xi32> to vector<16xi32>
        %swap3A_1109 = vector.shape_cast %add3A_1105 : vector<16xi32> to vector<16xi32>
        tpu.vector_store %arg5[%swap3A_1106], %swap3A_1109 {strides = array<i32>} : memref<400xi32, #tpu.memory_space<vmem>>, vector<16xi32>,
        %get3A_1110 = arith.constant 192 : index
        %get3A_1111 = tpu.vector_load %arg5[%get3A_1110] {strides = array<i32>} : memref<400xi32, #tpu.memory_space<vmem>>, vector<16xi32>,
        %get3A_1112 = vector.shape_cast %get3A_1111 : vector<16xi32> to vector<16xi32>
        %add3A_1113 = vector.broadcast %mul3A_2 : i32 to vector<16xi32>
        %add3A_1114 = arith.addi %get3A_1112, %add3A_1113 : vector<16xi32>
        %swap3A_1115 = arith.constant 192 : index
        %swap3A_1116 = tpu.vector_load %arg5[%swap3A_1115] {strides = array<i32>} : memref<400xi32, #tpu.memory_space<vmem>>, vector<16xi32>,
        %swap3A_1117 = vector.shape_cast %swap3A_1116 : vector<16xi32> to vector<16xi32>
        %swap3A_1118 = vector.shape_cast %add3A_1114 : vector<16xi32> to vector<16xi32>
        tpu.vector_store %arg5[%swap3A_1115], %swap3A_1118 {strides = array<i32>} : memref<400xi32, #tpu.memory_space<vmem>>, vector<16xi32>,
        %get3A_1119 = arith.constant 208 : index
        %get3A_1120 = tpu.vector_load %arg5[%get3A_1119] {strides = array<i32>} : memref<400xi32, #tpu.memory_space<vmem>>, vector<16xi32>,
        %get3A_1121 = vector.shape_cast %get3A_1120 : vector<16xi32> to vector<16xi32>
        %add3A_1122 = vector.broadcast %mul3A_2 : i32 to vector<16xi32>
        %add3A_1123 = arith.addi %get3A_1121, %add3A_1122 : vector<16xi32>
        %swap3A_1124 = arith.constant 208 : index
        %swap3A_1125 = tpu.vector_load %arg5[%swap3A_1124] {strides = array<i32>} : memref<400xi32, #tpu.memory_space<vmem>>, vector<16xi32>,
        %swap3A_1126 = vector.shape_cast %swap3A_1125 : vector<16xi32> to vector<16xi32>
        %swap3A_1127 = vector.shape_cast %add3A_1123 : vector<16xi32> to vector<16xi32>
        tpu.vector_store %arg5[%swap3A_1124], %swap3A_1127 {strides = array<i32>} : memref<400xi32, #tpu.memory_space<vmem>>, vector<16xi32>,
        %get3A_1128 = arith.constant 224 : index
        %get3A_1129 = tpu.vector_load %arg5[%get3A_1128] {strides = array<i32>} : memref<400xi32, #tpu.memory_space<vmem>>, vector<16xi32>,
        %get3A_1130 = vector.shape_cast %get3A_1129 : vector<16xi32> to vector<16xi32>
        %add3A_1131 = vector.broadcast %mul3A_2 : i32 to vector<16xi32>
        %add3A_1132 = arith.addi %get3A_1130, %add3A_1131 : vector<16xi32>
        %swap3A_1133 = arith.constant 224 : index
        %swap3A_1134 = tpu.vector_load %arg5[%swap3A_1133] {strides = array<i32>} : memref<400xi32, #tpu.memory_space<vmem>>, vector<16xi32>,
        %swap3A_1135 = vector.shape_cast %swap3A_1134 : vector<16xi32> to vector<16xi32>
        %swap3A_1136 = vector.shape_cast %add3A_1132 : vector<16xi32> to vector<16xi32>
        tpu.vector_store %arg5[%swap3A_1133], %swap3A_1136 {strides = array<i32>} : memref<400xi32, #tpu.memory_space<vmem>>, vector<16xi32>,
        %get3A_1137 = arith.constant 240 : index
        %get3A_1138 = tpu.vector_load %arg5[%get3A_1137] {strides = array<i32>} : memref<400xi32, #tpu.memory_space<vmem>>, vector<16xi32>,
        %get3A_1139 = vector.shape_cast %get3A_1138 : vector<16xi32> to vector<16xi32>
        %add3A_1140 = vector.broadcast %mul3A_2 : i32 to vector<16xi32>
        %add3A_1141 = arith.addi %get3A_1139, %add3A_1140 : vector<16xi32>
        %swap3A_1142 = arith.constant 240 : index
        %swap3A_1143 = tpu.vector_load %arg5[%swap3A_1142] {strides = array<i32>} : memref<400xi32, #tpu.memory_space<vmem>>, vector<16xi32>,
        %swap3A_1144 = vector.shape_cast %swap3A_1143 : vector<16xi32> to vector<16xi32>
        %swap3A_1145 = vector.shape_cast %add3A_1141 : vector<16xi32> to vector<16xi32>
        tpu.vector_store %arg5[%swap3A_1142], %swap3A_1145 {strides = array<i32>} : memref<400xi32, #tpu.memory_space<vmem>>, vector<16xi32>,
        %get3A_1146 = arith.constant 256 : index
        %get3A_1147 = tpu.vector_load %arg5[%get3A_1146] {strides = array<i32>} : memref<400xi32, #tpu.memory_space<vmem>>, vector<16xi32>,
        %get3A_1148 = vector.shape_cast %get3A_1147 : vector<16xi32> to vector<16xi32>
        %add3A_1149 = vector.broadcast %mul3A_2 : i32 to vector<16xi32>
        %add3A_1150 = arith.addi %get3A_1148, %add3A_1149 : vector<16xi32>
        %swap3A_1151 = arith.constant 256 : index
        %swap3A_1152 = tpu.vector_load %arg5[%swap3A_1151] {strides = array<i32>} : memref<400xi32, #tpu.memory_space<vmem>>, vector<16xi32>,
        %swap3A_1153 = vector.shape_cast %swap3A_1152 : vector<16xi32> to vector<16xi32>
        %swap3A_1154 = vector.shape_cast %add3A_1150 : vector<16xi32> to vector<16xi32>
        tpu.vector_store %arg5[%swap3A_1151], %swap3A_1154 {strides = array<i32>} : memref<400xi32, #tpu.memory_space<vmem>>, vector<16xi32>,
        %get3A_1155 = arith.constant 272 : index
        %get3A_1156 = tpu.vector_load %arg5[%get3A_1155] {strides = array<i32>} : memref<400xi32, #tpu.memory_space<vmem>>, vector<16xi32>,
        %get3A_1157 = vector.shape_cast %get3A_1156 : vector<16xi32> to vector<16xi32>
        %add3A_1158 = vector.broadcast %mul3A_2 : i32 to vector<16xi32>
        %add3A_1159 = arith.addi %get3A_1157, %add3A_1158 : vector<16xi32>
        %swap3A_1160 = arith.constant 272 : index
        %swap3A_1161 = tpu.vector_load %arg5[%swap3A_1160] {strides = array<i32>} : memref<400xi32, #tpu.memory_space<vmem>>, vector<16xi32>,
        %swap3A_1162 = vector.shape_cast %swap3A_1161 : vector<16xi32> to vector<16xi32>
        %swap3A_1163 = vector.shape_cast %add3A_1159 : vector<16xi32> to vector<16xi32>
        tpu.vector_store %arg5[%swap3A_1160], %swap3A_1163 {strides = array<i32>} : memref<400xi32, #tpu.memory_space<vmem>>, vector<16xi32>,
        %get3A_1164 = arith.constant 288 : index
        %get3A_1165 = tpu.vector_load %arg5[%get3A_1164] {strides = array<i32>} : memref<400xi32, #tpu.memory_space<vmem>>, vector<16xi32>,
        %get3A_1166 = vector.shape_cast %get3A_1165 : vector<16xi32> to vector<16xi32>
        %add3A_1167 = vector.broadcast %mul3A_2 : i32 to vector<16xi32>
        %add3A_1168 = arith.addi %get3A_1166, %add3A_1167 : vector<16xi32>
        %swap3A_1169 = arith.constant 288 : index
        %swap3A_1170 = tpu.vector_load %arg5[%swap3A_1169] {strides = array<i32>} : memref<400xi32, #tpu.memory_space<vmem>>, vector<16xi32>,
        %swap3A_1171 = vector.shape_cast %swap3A_1170 : vector<16xi32> to vector<16xi32>
        %swap3A_1172 = vector.shape_cast %add3A_1168 : vector<16xi32> to vector<16xi32>
        tpu.vector_store %arg5[%swap3A_1169], %swap3A_1172 {strides = array<i32>} : memref<400xi32, #tpu.memory_space<vmem>>, vector<16xi32>,
        %get3A_1173 = arith.constant 304 : index
        %get3A_1174 = tpu.vector_load %arg5[%get3A_1173] {strides = array<i32>} : memref<400xi32, #tpu.memory_space<vmem>>, vector<16xi32>,
        %get3A_1175 = vector.shape_cast %get3A_1174 : vector<16xi32> to vector<16xi32>
        %add3A_1176 = vector.broadcast %mul3A_2 : i32 to vector<16xi32>
        %add3A_1177 = arith.addi %get3A_1175, %add3A_1176 : vector<16xi32>
        %swap3A_1178 = arith.constant 304 : index
        %swap3A_1179 = tpu.vector_load %arg5[%swap3A_1178] {strides = array<i32>} : memref<400xi32, #tpu.memory_space<vmem>>, vector<16xi32>,
        %swap3A_1180 = vector.shape_cast %swap3A_1179 : vector<16xi32> to vector<16xi32>
        %swap3A_1181 = vector.shape_cast %add3A_1177 : vector<16xi32> to vector<16xi32>
        tpu.vector_store %arg5[%swap3A_1178], %swap3A_1181 {strides = array<i32>} : memref<400xi32, #tpu.memory_space<vmem>>, vector<16xi32>,
        %get3A_1182 = arith.constant 320 : index
        %get3A_1183 = tpu.vector_load %arg5[%get3A_1182] {strides = array<i32>} : memref<400xi32, #tpu.memory_space<vmem>>, vector<16xi32>,
        %get3A_1184 = vector.shape_cast %get3A_1183 : vector<16xi32> to vector<16xi32>
        %add3A_1185 = vector.broadcast %mul3A_2 : i32 to vector<16xi32>
        %add3A_1186 = arith.addi %get3A_1184, %add3A_1185 : vector<16xi32>
        %swap3A_1187 = arith.constant 320 : index
        %swap3A_1188 = tpu.vector_load %arg5[%swap3A_1187] {strides = array<i32>} : memref<400xi32, #tpu.memory_space<vmem>>, vector<16xi32>,
        %swap3A_1189 = vector.shape_cast %swap3A_1188 : vector<16xi32> to vector<16xi32>
        %swap3A_1190 = vector.shape_cast %add3A_1186 : vector<16xi32> to vector<16xi32>
        tpu.vector_store %arg5[%swap3A_1187], %swap3A_1190 {strides = array<i32>} : memref<400xi32, #tpu.memory_space<vmem>>, vector<16xi32>,
        %get3A_1191 = arith.constant 336 : index
        %get3A_1192 = tpu.vector_load %arg5[%get3A_1191] {strides = array<i32>} : memref<400xi32, #tpu.memory_space<vmem>>, vector<16xi32>,
        %get3A_1193 = vector.shape_cast %get3A_1192 : vector<16xi32> to vector<16xi32>
        %add3A_1194 = vector.broadcast %mul3A_2 : i32 to vector<16xi32>
        %add3A_1195 = arith.addi %get3A_1193, %add3A_1194 : vector<16xi32>
        %swap3A_1196 = arith.constant 336 : index
        %swap3A_1197 = tpu.vector_load %arg5[%swap3A_1196] {strides = array<i32>} : memref<400xi32, #tpu.memory_space<vmem>>, vector<16xi32>,
        %swap3A_1198 = vector.shape_cast %swap3A_1197 : vector<16xi32> to vector<16xi32>
        %swap3A_1199 = vector.shape_cast %add3A_1195 : vector<16xi32> to vector<16xi32>
        tpu.vector_store %arg5[%swap3A_1196], %swap3A_1199 {strides = array<i32>} : memref<400xi32, #tpu.memory_space<vmem>>, vector<16xi32>,
        %get3A_1200 = arith.constant 352 : index
        %get3A_1201 = tpu.vector_load %arg5[%get3A_1200] {strides = array<i32>} : memref<400xi32, #tpu.memory_space<vmem>>, vector<16xi32>,
        %get3A_1202 = vector.shape_cast %get3A_1201 : vector<16xi32> to vector<16xi32>
        %add3A_1203 = vector.broadcast %mul3A_2 : i32 to vector<16xi32>
        %add3A_1204 = arith.addi %get3A_1202, %add3A_1203 : vector<16xi32>
        %swap3A_1205 = arith.constant 352 : index
        %swap3A_1206 = tpu.vector_load %arg5[%swap3A_1205] {strides = array<i32>} : memref<400xi32, #tpu.memory_space<vmem>>, vector<16xi32>,
        %swap3A_1207 = vector.shape_cast %swap3A_1206 : vector<16xi32> to vector<16xi32>
        %swap3A_1208 = vector.shape_cast %add3A_1204 : vector<16xi32> to vector<16xi32>
        tpu.vector_store %arg5[%swap3A_1205], %swap3A_1208 {strides = array<i32>} : memref<400xi32, #tpu.memory_space<vmem>>, vector<16xi32>,
        %get3A_1209 = arith.constant 368 : index
        %get3A_1210 = tpu.vector_load %arg5[%get3A_1209] {strides = array<i32>} : memref<400xi32, #tpu.memory_space<vmem>>, vector<16xi32>,
        %get3A_1211 = vector.shape_cast %get3A_1210 : vector<16xi32> to vector<16xi32>
        %add3A_1212 = vector.broadcast %mul3A_2 : i32 to vector<16xi32>
        %add3A_1213 = arith.addi %get3A_1211, %add3A_1212 : vector<16xi32>
        %swap3A_1214 = arith.constant 368 : index
        %swap3A_1215 = tpu.vector_load %arg5[%swap3A_1214] {strides = array<i32>} : memref<400xi32, #tpu.memory_space<vmem>>, vector<16xi32>,
        %swap3A_1216 = vector.shape_cast %swap3A_1215 : vector<16xi32> to vector<16xi32>
        %swap3A_1217 = vector.shape_cast %add3A_1213 : vector<16xi32> to vector<16xi32>
        tpu.vector_store %arg5[%swap3A_1214], %swap3A_1217 {strides = array<i32>} : memref<400xi32, #tpu.memory_space<vmem>>, vector<16xi32>,
        %get3A_1218 = arith.constant 384 : index
        %get3A_1219 = tpu.vector_load %arg5[%get3A_1218] {strides = array<i32>} : memref<400xi32, #tpu.memory_space<vmem>>, vector<16xi32>,
        %get3A_1220 = vector.shape_cast %get3A_1219 : vector<16xi32> to vector<16xi32>
        %add3A_1221 = vector.broadcast %mul3A_2 : i32 to vector<16xi32>
        %add3A_1222 = arith.addi %get3A_1220, %add3A_1221 : vector<16xi32>
        %swap3A_1223 = arith.constant 384 : index
        %swap3A_1224 = tpu.vector_load %arg5[%swap3A_1223] {strides = array<i32>} : memref<400xi32, #tpu.memory_space<vmem>>, vector<16xi32>,
        %swap3A_1225 = vector.shape_cast %swap3A_1224 : vector<16xi32> to vector<16xi32>
        %swap3A_1226 = vector.shape_cast %add3A_1222 : vector<16xi32> to vector<16xi32>
        tpu.vector_store %arg5[%swap3A_1223], %swap3A_1226 {strides = array<i32>} : memref<400xi32, #tpu.memory_space<vmem>>, vector<16xi32>,
      } else {
      }
      %dma_wait3A_970 = arith.constant 1 : i32
      %dma_wait3A_971 = arith.constant 0 : i32
      %dma_wait3A_972 = arith.constant 0 : i32
      %dma_wait3A_973 = tpu.memref_slice %arg7[%dma_wait3A_970, %dma_wait3A_971, %dma_wait3A_972] : memref<2x400x128xf32, #tpu.memory_space<vmem>> -> memref<1x400x128xf32, #tpu.memory_space<vmem>>
      %dma_wait3A_974 = tpu.memref_squeeze %dma_wait3A_973 : memref<1x400x128xf32, #tpu.memory_space<vmem>> -> memref<400x128xf32, #tpu.memory_space<vmem>>
      %dma_wait3A_975 = arith.constant 0 : i32
      %dma_wait3A_976 = arith.constant 0 : i32
      %dma_wait3A_977 = tpu.memref_slice %arg8[%dma_wait3A_975, %dma_wait3A_976] : memref<512x128xf32, #tpu.memory_space<vmem_shared>> -> memref<512x128xf32, #tpu.memory_space<vmem_shared>>
      tpu.wait_indirect_dma semaphore(%arg9 : memref<!tpu.dma_semaphore, #tpu.memory_space<semaphore_mem>>) src(%dma_wait3A_977 : memref<512x128xf32, #tpu.memory_space<vmem_shared>>) dst(%dma_wait3A_974 : memref<400x128xf32, #tpu.memory_space<vmem>>)
      %add3A_978 = arith.constant 2 : i32
      %add3A_979 = arith.addi %add3A_934, %add3A_978 : i32
      %lt3A_980 = arith.constant 125 : i32
      %lt3A_981 = arith.cmpi slt, %add3A_979, %lt3A_980 : i32
      %convert_element_type3A_982 = arith.extui %lt3A_981 : i1 to i32
      %cond3A_983 = arith.constant 0 : i32
      %cond3A_984 = arith.cmpi ne, %convert_element_type3A_982, %cond3A_983 : i32
      scf.if %cond3A_984 {
        %add3A_998 = arith.constant 2 : i32
        %add3A_999 = arith.addi %add3A_934, %add3A_998 : i32
        %mul3A_1000 = arith.constant 32 : i32
        %mul3A_1001 = arith.muli %add3A_999, %mul3A_1000 : i32
        %add3A_1002 = arith.addi %mul3A_1001, %add3A : i32
        %mul3A_1003 = arith.constant 400 : i32
        %mul3A_1004 = arith.muli %add3A_1002, %mul3A_1003 : i32
        %dma_start3A_1005 = tpu.memref_slice %arg3[%mul3A_1004] : memref<1600000xi32, #tpu.memory_space<hbm>> -> memref<400xi32, #tpu.memory_space<hbm>>
        %dma_start3A_1006 = tpu.memref_slice %arg3[%mul3A_1004] : memref<1600000xi32, #tpu.memory_space<hbm>> -> memref<400xi32, #tpu.memory_space<hbm>>
        tpu.enqueue_dma source(%dma_start3A_1006 : memref<400xi32, #tpu.memory_space<hbm>>) target(%arg6 : memref<400xi32, #tpu.memory_space<vmem>>) target_semaphore(%arg13 : memref<!tpu.dma_semaphore, #tpu.memory_space<semaphore_mem>>)
      } else {
      }
      %dma_start3A_985 = arith.constant 1 : i32
      %dma_start3A_986 = arith.constant 0 : i32
      %dma_start3A_987 = arith.constant 0 : i32
      %dma_start3A_988 = tpu.memref_slice %arg7[%dma_start3A_985, %dma_start3A_986, %dma_start3A_987] : memref<2x400x128xf32, #tpu.memory_space<vmem>> -> memref<1x400x128xf32, #tpu.memory_space<vmem>>
      %dma_start3A_989 = tpu.memref_squeeze %dma_start3A_988 : memref<1x400x128xf32, #tpu.memory_space<vmem>> -> memref<400x128xf32, #tpu.memory_space<vmem>>
      %dma_start3A_990 = arith.constant 0 : i32
      %dma_start3A_991 = tpu.memref_slice %arg4[%mul3A_939, %dma_start3A_990] : memref<1600000x128xf32, #tpu.memory_space<hbm>> -> memref<400x128xf32, #tpu.memory_space<hbm>>
      %dma_start3A_992 = arith.constant 0 : i32
      %dma_start3A_993 = tpu.memref_slice %arg4[%mul3A_939, %dma_start3A_992] : memref<1600000x128xf32, #tpu.memory_space<hbm>> -> memref<400x128xf32, #tpu.memory_space<hbm>>
      %dma_start3A_994 = arith.constant 0 : i32
      %dma_start3A_995 = arith.constant 0 : i32
      %dma_start3A_996 = tpu.memref_slice %arg7[%dma_start3A_985, %dma_start3A_994, %dma_start3A_995] : memref<2x400x128xf32, #tpu.memory_space<vmem>> -> memref<1x400x128xf32, #tpu.memory_space<vmem>>
      %dma_start3A_997 = tpu.memref_squeeze %dma_start3A_996 : memref<1x400x128xf32, #tpu.memory_space<vmem>> -> memref<400x128xf32, #tpu.memory_space<vmem>>
      tpu.enqueue_dma source(%dma_start3A_997 : memref<400x128xf32, #tpu.memory_space<vmem>>) target(%dma_start3A_993 : memref<400x128xf32, #tpu.memory_space<hbm>>) target_semaphore(%arg11 : memref<!tpu.dma_semaphore, #tpu.memory_space<semaphore_mem>>)
    }
    %scan3A_781 = arith.constant 61 : i32
    %add3A_782 = arith.constant 3968 : i32
    %add3A_783 = arith.addi %add3A_782, %add3A : i32
    %mul3A_784 = arith.constant 400 : i32
    %mul3A_785 = arith.muli %add3A_783, %mul3A_784 : i32
    %dma_wait3A_786 = arith.constant 0 : i32
    %dma_wait3A_787 = arith.constant 0 : i32
    %dma_wait3A_788 = arith.constant 0 : i32
    %dma_wait3A_789 = tpu.memref_slice %arg7[%dma_wait3A_786, %dma_wait3A_787, %dma_wait3A_788] : memref<2x400x128xf32, #tpu.memory_space<vmem>> -> memref<1x400x128xf32, #tpu.memory_space<vmem>>
    %dma_wait3A_790 = tpu.memref_squeeze %dma_wait3A_789 : memref<1x400x128xf32, #tpu.memory_space<vmem>> -> memref<400x128xf32, #tpu.memory_space<vmem>>
    %dma_wait3A_791 = arith.constant 0 : i32
    %dma_wait3A_792 = arith.constant 0 : i32
    %dma_wait3A_793 = tpu.memref_slice %arg4[%dma_wait3A_791, %dma_wait3A_792] : memref<1600000x128xf32, #tpu.memory_space<hbm>> -> memref<400x128xf32, #tpu.memory_space<hbm>>
    %dma_wait3A_794 = arith.constant 0 : i32
    %dma_wait3A_795 = arith.constant 0 : i32
    %dma_wait3A_796 = tpu.memref_slice %arg4[%dma_wait3A_794, %dma_wait3A_795] : memref<1600000x128xf32, #tpu.memory_space<hbm>> -> memref<400x128xf32, #tpu.memory_space<hbm>>
    %dma_wait3A_797 = arith.constant 0 : i32
    %dma_wait3A_798 = arith.constant 0 : i32
    %dma_wait3A_799 = tpu.memref_slice %arg7[%dma_wait3A_786, %dma_wait3A_797, %dma_wait3A_798] : memref<2x400x128xf32, #tpu.memory_space<vmem>> -> memref<1x400x128xf32, #tpu.memory_space<vmem>>
    %dma_wait3A_800 = tpu.memref_squeeze %dma_wait3A_799 : memref<1x400x128xf32, #tpu.memory_space<vmem>> -> memref<400x128xf32, #tpu.memory_space<vmem>>
    tpu.wait_dma2 semaphore(%arg10 : memref<!tpu.dma_semaphore, #tpu.memory_space<semaphore_mem>>) src(%dma_wait3A_800 : memref<400x128xf32, #tpu.memory_space<vmem>>) dst(%dma_wait3A_796 : memref<400x128xf32, #tpu.memory_space<hbm>>)
    %dma_start3A_801 = arith.constant 0 : i32
    %dma_start3A_802 = arith.constant 0 : i32
    %dma_start3A_803 = arith.constant 0 : i32
    %dma_start3A_804 = tpu.memref_slice %arg7[%dma_start3A_801, %dma_start3A_802, %dma_start3A_803] : memref<2x400x128xf32, #tpu.memory_space<vmem>> -> memref<1x400x128xf32, #tpu.memory_space<vmem>>
    %dma_start3A_805 = tpu.memref_squeeze %dma_start3A_804 : memref<1x400x128xf32, #tpu.memory_space<vmem>> -> memref<400x128xf32, #tpu.memory_space<vmem>>
    %dma_start3A_806 = arith.constant 0 : i32
    %dma_start3A_807 = arith.constant 0 : i32
    %dma_start3A_808 = tpu.memref_slice %arg8[%dma_start3A_806, %dma_start3A_807] : memref<512x128xf32, #tpu.memory_space<vmem_shared>> -> memref<512x128xf32, #tpu.memory_space<vmem_shared>>
    tpu.enqueue_indirect_dma source(%dma_start3A_808 : memref<512x128xf32, #tpu.memory_space<vmem_shared>>) target(%dma_start3A_805 : memref<400x128xf32, #tpu.memory_space<vmem>>) offsets(%arg5 : memref<400xi32, #tpu.memory_space<vmem>>) semaphore(%arg9 : memref<!tpu.dma_semaphore, #tpu.memory_space<semaphore_mem>>)
    %dma_wait3A_809 = arith.constant 0 : i32
    %dma_wait3A_810 = arith.constant 0 : i32
    %dma_wait3A_811 = arith.constant 0 : i32
    %dma_wait3A_812 = tpu.memref_slice %arg7[%dma_wait3A_809, %dma_wait3A_810, %dma_wait3A_811] : memref<2x400x128xf32, #tpu.memory_space<vmem>> -> memref<1x400x128xf32, #tpu.memory_space<vmem>>
    %dma_wait3A_813 = tpu.memref_squeeze %dma_wait3A_812 : memref<1x400x128xf32, #tpu.memory_space<vmem>> -> memref<400x128xf32, #tpu.memory_space<vmem>>
    %dma_wait3A_814 = arith.constant 0 : i32
    %dma_wait3A_815 = arith.constant 0 : i32
    %dma_wait3A_816 = tpu.memref_slice %arg8[%dma_wait3A_814, %dma_wait3A_815] : memref<512x128xf32, #tpu.memory_space<vmem_shared>> -> memref<512x128xf32, #tpu.memory_space<vmem_shared>>
    tpu.wait_indirect_dma semaphore(%arg9 : memref<!tpu.dma_semaphore, #tpu.memory_space<semaphore_mem>>) src(%dma_wait3A_816 : memref<512x128xf32, #tpu.memory_space<vmem_shared>>) dst(%dma_wait3A_813 : memref<400x128xf32, #tpu.memory_space<vmem>>)
    %dma_start3A_817 = arith.constant 0 : i32
    %dma_start3A_818 = arith.constant 0 : i32
    %dma_start3A_819 = arith.constant 0 : i32
    %dma_start3A_820 = tpu.memref_slice %arg7[%dma_start3A_817, %dma_start3A_818, %dma_start3A_819] : memref<2x400x128xf32, #tpu.memory_space<vmem>> -> memref<1x400x128xf32, #tpu.memory_space<vmem>>
    %dma_start3A_821 = tpu.memref_squeeze %dma_start3A_820 : memref<1x400x128xf32, #tpu.memory_space<vmem>> -> memref<400x128xf32, #tpu.memory_space<vmem>>
    %dma_start3A_822 = arith.constant 0 : i32
    %dma_start3A_823 = tpu.memref_slice %arg4[%mul3A_785, %dma_start3A_822] : memref<1600000x128xf32, #tpu.memory_space<hbm>> -> memref<400x128xf32, #tpu.memory_space<hbm>>
    %dma_start3A_824 = arith.constant 0 : i32
    %dma_start3A_825 = tpu.memref_slice %arg4[%mul3A_785, %dma_start3A_824] : memref<1600000x128xf32, #tpu.memory_space<hbm>> -> memref<400x128xf32, #tpu.memory_space<hbm>>
    %dma_start3A_826 = arith.constant 0 : i32
    %dma_start3A_827 = arith.constant 0 : i32
    %dma_start3A_828 = tpu.memref_slice %arg7[%dma_start3A_817, %dma_start3A_826, %dma_start3A_827] : memref<2x400x128xf32, #tpu.memory_space<vmem>> -> memref<1x400x128xf32, #tpu.memory_space<vmem>>
    %dma_start3A_829 = tpu.memref_squeeze %dma_start3A_828 : memref<1x400x128xf32, #tpu.memory_space<vmem>> -> memref<400x128xf32, #tpu.memory_space<vmem>>
    tpu.enqueue_dma source(%dma_start3A_829 : memref<400x128xf32, #tpu.memory_space<vmem>>) target(%dma_start3A_825 : memref<400x128xf32, #tpu.memory_space<hbm>>) target_semaphore(%arg10 : memref<!tpu.dma_semaphore, #tpu.memory_space<semaphore_mem>>)
    %dma_wait3A_830 = arith.constant 0 : i32
    %dma_wait3A_831 = arith.constant 0 : i32
    %dma_wait3A_832 = arith.constant 0 : i32
    %dma_wait3A_833 = tpu.memref_slice %arg7[%dma_wait3A_830, %dma_wait3A_831, %dma_wait3A_832] : memref<2x400x128xf32, #tpu.memory_space<vmem>> -> memref<1x400x128xf32, #tpu.memory_space<vmem>>
    %dma_wait3A_834 = tpu.memref_squeeze %dma_wait3A_833 : memref<1x400x128xf32, #tpu.memory_space<vmem>> -> memref<400x128xf32, #tpu.memory_space<vmem>>
    %dma_wait3A_835 = arith.constant 0 : i32
    %dma_wait3A_836 = arith.constant 0 : i32
    %dma_wait3A_837 = tpu.memref_slice %arg4[%dma_wait3A_835, %dma_wait3A_836] : memref<1600000x128xf32, #tpu.memory_space<hbm>> -> memref<400x128xf32, #tpu.memory_space<hbm>>
    %dma_wait3A_838 = arith.constant 0 : i32
    %dma_wait3A_839 = arith.constant 0 : i32
    %dma_wait3A_840 = tpu.memref_slice %arg4[%dma_wait3A_838, %dma_wait3A_839] : memref<1600000x128xf32, #tpu.memory_space<hbm>> -> memref<400x128xf32, #tpu.memory_space<hbm>>
    %dma_wait3A_841 = arith.constant 0 : i32
    %dma_wait3A_842 = arith.constant 0 : i32
    %dma_wait3A_843 = tpu.memref_slice %arg7[%dma_wait3A_830, %dma_wait3A_841, %dma_wait3A_842] : memref<2x400x128xf32, #tpu.memory_space<vmem>> -> memref<1x400x128xf32, #tpu.memory_space<vmem>>
    %dma_wait3A_844 = tpu.memref_squeeze %dma_wait3A_843 : memref<1x400x128xf32, #tpu.memory_space<vmem>> -> memref<400x128xf32, #tpu.memory_space<vmem>>
    tpu.wait_dma2 semaphore(%arg10 : memref<!tpu.dma_semaphore, #tpu.memory_space<semaphore_mem>>) src(%dma_wait3A_844 : memref<400x128xf32, #tpu.memory_space<vmem>>) dst(%dma_wait3A_840 : memref<400x128xf32, #tpu.memory_space<hbm>>)
    %dma_wait3A_845 = arith.constant 1 : i32
    %dma_wait3A_846 = arith.constant 0 : i32
    %dma_wait3A_847 = arith.constant 0 : i32
    %dma_wait3A_848 = tpu.memref_slice %arg7[%dma_wait3A_845, %dma_wait3A_846, %dma_wait3A_847] : memref<2x400x128xf32, #tpu.memory_space<vmem>> -> memref<1x400x128xf32, #tpu.memory_space<vmem>>
    %dma_wait3A_849 = tpu.memref_squeeze %dma_wait3A_848 : memref<1x400x128xf32, #tpu.memory_space<vmem>> -> memref<400x128xf32, #tpu.memory_space<vmem>>
    %dma_wait3A_850 = arith.constant 0 : i32
    %dma_wait3A_851 = arith.constant 0 : i32
    %dma_wait3A_852 = tpu.memref_slice %arg4[%dma_wait3A_850, %dma_wait3A_851] : memref<1600000x128xf32, #tpu.memory_space<hbm>> -> memref<400x128xf32, #tpu.memory_space<hbm>>
    %dma_wait3A_853 = arith.constant 0 : i32
    %dma_wait3A_854 = arith.constant 0 : i32
    %dma_wait3A_855 = tpu.memref_slice %arg4[%dma_wait3A_853, %dma_wait3A_854] : memref<1600000x128xf32, #tpu.memory_space<hbm>> -> memref<400x128xf32, #tpu.memory_space<hbm>>
    %dma_wait3A_856 = arith.constant 0 : i32
    %dma_wait3A_857 = arith.constant 0 : i32
    %dma_wait3A_858 = tpu.memref_slice %arg7[%dma_wait3A_845, %dma_wait3A_856, %dma_wait3A_857] : memref<2x400x128xf32, #tpu.memory_space<vmem>> -> memref<1x400x128xf32, #tpu.memory_space<vmem>>
    %dma_wait3A_859 = tpu.memref_squeeze %dma_wait3A_858 : memref<1x400x128xf32, #tpu.memory_space<vmem>> -> memref<400x128xf32, #tpu.memory_space<vmem>>
    tpu.wait_dma2 semaphore(%arg11 : memref<!tpu.dma_semaphore, #tpu.memory_space<semaphore_mem>>) src(%dma_wait3A_859 : memref<400x128xf32, #tpu.memory_space<vmem>>) dst(%dma_wait3A_855 : memref<400x128xf32, #tpu.memory_space<hbm>>)
    return
  }
}

module attributes {stable_mosaic.version = 14 : i64} {
  func.func @_table_body(%arg0: memref<5x5xf32, #tpu.memory_space<vmem>>, %arg1: memref<3x5xf32, #tpu.memory_space<vmem>>, %arg2: memref<128x10xf32, #tpu.memory_space<vmem>>, %arg3: memref<128xf32, #tpu.memory_space<vmem>>, %arg4: memref<32x16x128xf32, #tpu.memory_space<vmem>>) attributes {dimension_semantics = [], scalar_prefetch = 0 : i64, scratch_operands = 0 : i64, tpu.core_type = #tpu.core_type<tc>} {
    %iota3A = tpu.iota {dimensions = array<i32: 0>} : vector<16x5xi32>
    %iota3A_0 = tpu.iota {dimensions = array<i32: 1>} : vector<16x5xi32>
    %iota3A_1 = tpu.iota {dimensions = array<i32: 0>} : vector<16x3xi32>
    %iota3A_2 = tpu.iota {dimensions = array<i32: 1>} : vector<16x3xi32>
    %jit3A = arith.constant 3 : i32
    %div3A = vector.broadcast %jit3A : i32 to vector<16x5xi32>
    %div3A_3 = arith.divsi %iota3A, %div3A : vector<16x5xi32>
    %sign3A = arith.constant 0 : i32
    %sign3A_4 = vector.broadcast %sign3A : i32 to vector<16x5xi32>
    %sign3A_5 = arith.cmpi sgt, %iota3A, %sign3A_4 : vector<16x5xi32>
    %sign3A_6 = arith.extui %sign3A_5 : vector<16x5xi1> to vector<16x5xi32>
    %sign3A_7 = arith.constant 0 : i32
    %sign3A_8 = vector.broadcast %sign3A_7 : i32 to vector<16x5xi32>
    %sign3A_9 = arith.cmpi slt, %iota3A, %sign3A_8 : vector<16x5xi32>
    %sign3A_10 = arith.extui %sign3A_9 : vector<16x5xi1> to vector<16x5xi32>
    %sign3A_11 = arith.subi %sign3A_6, %sign3A_10 : vector<16x5xi32>
    %sign3A_12 = arith.constant 0 : i32
    %sign3A_13 = arith.cmpi sgt, %jit3A, %sign3A_12 : i32
    %sign3A_14 = arith.extui %sign3A_13 : i1 to i32
    %sign3A_15 = arith.constant 0 : i32
    %sign3A_16 = arith.cmpi slt, %jit3A, %sign3A_15 : i32
    %sign3A_17 = arith.extui %sign3A_16 : i1 to i32
    %sign3A_18 = arith.subi %sign3A_14, %sign3A_17 : i32
    %ne3A = vector.broadcast %sign3A_18 : i32 to vector<16x5xi32>
    %ne3A_19 = arith.cmpi ne, %sign3A_11, %ne3A : vector<16x5xi32>
    %rem3A = vector.broadcast %jit3A : i32 to vector<16x5xi32>
    %rem3A_20 = arith.remsi %iota3A, %rem3A : vector<16x5xi32>
    %ne3A_21 = arith.constant 0 : i32
    %ne3A_22 = vector.broadcast %ne3A_21 : i32 to vector<16x5xi32>
    %ne3A_23 = arith.cmpi ne, %rem3A_20, %ne3A_22 : vector<16x5xi32>
    %and3A = arith.andi %ne3A_19, %ne3A_23 : vector<16x5xi1>
    %sub3A = arith.constant 1 : i32
    %sub3A_24 = vector.broadcast %sub3A : i32 to vector<16x5xi32>
    %sub3A_25 = arith.subi %div3A_3, %sub3A_24 : vector<16x5xi32>
    %select_n3A = arith.select %and3A, %sub3A_25, %div3A_3 : vector<16x5xi1>, vector<16x5xi32>
    %min3A = arith.constant 4 : i32
    %min3A_26 = vector.broadcast %min3A : i32 to vector<16x5xi32>
    %min3A_27 = arith.minsi %select_n3A, %min3A_26 : vector<16x5xi32>
    %jit3A_28 = arith.constant 3 : i32
    %eq3A = arith.constant 0 : i32
    %eq3A_29 = arith.cmpi eq, %jit3A_28, %eq3A : i32
    %jit3A_30 = arith.constant 1 : i32
    %select_n3A_31 = arith.select %eq3A_29, %jit3A_30, %jit3A_28 : i32
    %rem3A_32 = vector.broadcast %select_n3A_31 : i32 to vector<16x3xi32>
    %rem3A_33 = arith.remsi %iota3A_1, %rem3A_32 : vector<16x3xi32>
    %ne3A_34 = arith.constant 0 : i32
    %ne3A_35 = vector.broadcast %ne3A_34 : i32 to vector<16x3xi32>
    %ne3A_36 = arith.cmpi ne, %rem3A_33, %ne3A_35 : vector<16x3xi32>
    %lt3A = arith.constant 0 : i32
    %lt3A_37 = vector.broadcast %lt3A : i32 to vector<16x3xi32>
    %lt3A_38 = arith.cmpi slt, %rem3A_33, %lt3A_37 : vector<16x3xi32>
    %lt3A_39 = arith.constant 0 : i32
    %lt3A_40 = arith.cmpi slt, %select_n3A_31, %lt3A_39 : i32
    %ne3A_41 = vector.broadcast %lt3A_40 : i1 to vector<16x3xi1>
    %ne3A_42 = vector.broadcast %ne3A_41 : vector<16x3xi1> to vector<16x3xi1>
    %ne3A_43 = arith.xori %lt3A_38, %ne3A_42 : vector<16x3xi1>
    %and3A_44 = arith.andi %ne3A_43, %ne3A_36 : vector<16x3xi1>
    %add3A = vector.broadcast %select_n3A_31 : i32 to vector<16x3xi32>
    %add3A_45 = arith.addi %rem3A_33, %add3A : vector<16x3xi32>
    %select_n3A_46 = arith.select %and3A_44, %add3A_45, %rem3A_33 : vector<16x3xi1>, vector<16x3xi32>
    %eq3A_47 = arith.cmpi eq, %iota3A_0, %min3A_27 : vector<16x5xi32>
    %convert_element_type3A = arith.extui %eq3A_47 : vector<16x5xi1> to vector<16x5xi32>
    %convert_element_type3A_48 = arith.sitofp %convert_element_type3A : vector<16x5xi32> to vector<16x5xf32>
    %eq3A_49 = arith.cmpi eq, %iota3A_2, %select_n3A_46 : vector<16x3xi32>
    %convert_element_type3A_50 = arith.extui %eq3A_49 : vector<16x3xi1> to vector<16x3xi32>
    %convert_element_type3A_51 = arith.sitofp %convert_element_type3A_50 : vector<16x3xi32> to vector<16x3xf32>
    %get3A = arith.constant 0 : index
    %get3A_52 = arith.constant 0 : index
    %get3A_53 = vector.load %arg0[%get3A, %get3A_52] : memref<5x5xf32, #tpu.memory_space<vmem>>, vector<5x5xf32>
    %dot_general3A = arith.constant dense<0.000000e+00> : vector<16x5xf32>
    %dot_general3A_54 = tpu.matmul %convert_element_type3A_48, %get3A_53, %dot_general3A {dimension_numbers = #tpu.dot_dimension_numbers<[1], [0], [0], [1], [0, 0, 1, 1], [], []>, transpose_lhs_hint = false} : vector<16x5xf32>, vector<5x5xf32>, vector<16x5xf32> -> vector<16x5xf32>
    %get3A_55 = arith.constant 0 : index
    %get3A_56 = arith.constant 0 : index
    %get3A_57 = vector.load %arg1[%get3A_55, %get3A_56] : memref<3x5xf32, #tpu.memory_space<vmem>>, vector<3x5xf32>
    %dot_general3A_58 = arith.constant dense<0.000000e+00> : vector<16x5xf32>
    %dot_general3A_59 = tpu.matmul %convert_element_type3A_51, %get3A_57, %dot_general3A_58 {dimension_numbers = #tpu.dot_dimension_numbers<[1], [0], [0], [1], [0, 0, 1, 1], [], []>, transpose_lhs_hint = false} : vector<16x3xf32>, vector<3x5xf32>, vector<16x5xf32> -> vector<16x5xf32>
    %concatenate3A = tpu.concatenate %dot_general3A_54, %dot_general3A_59 in 1 : vector<16x5xf32>, vector<16x5xf32> -> vector<16x10xf32>
    %max3A = arith.constant 0.000000e+00 : f32
    %max3A_60 = vector.broadcast %max3A : f32 to vector<16x10xf32>
    %max3A_61 = arith.maximumf %concatenate3A, %max3A_60 : vector<16x10xf32>
    %get3A_62 = arith.constant 0 : index
    %get3A_63 = arith.constant 0 : index
    %get3A_64 = vector.load %arg2[%get3A_62, %get3A_63] : memref<128x10xf32, #tpu.memory_space<vmem>>, vector<128x10xf32>
    %dot_general3A_65 = arith.constant dense<0.000000e+00> : vector<16x128xf32>
    %dot_general3A_66 = tpu.matmul %max3A_61, %get3A_64, %dot_general3A_65 {dimension_numbers = #tpu.dot_dimension_numbers<[1], [1], [0], [0], [0, 0, 1, 0], [], []>, transpose_lhs_hint = false} : vector<16x10xf32>, vector<128x10xf32>, vector<16x128xf32> -> vector<16x128xf32>
    %get3A_67 = arith.constant 0 : index
    %get3A_68 = vector.load %arg3[%get3A_67] : memref<128xf32, #tpu.memory_space<vmem>>, vector<128xf32>
    %broadcast_in_dim3A = vector.shape_cast %get3A_68 : vector<128xf32> to vector<1x128xf32>
    %add3A_69 = vector.broadcast %broadcast_in_dim3A : vector<1x128xf32> to vector<16x128xf32>
    %add3A_70 = arith.addf %dot_general3A_66, %add3A_69 : vector<16x128xf32>
    %broadcast_in_dim3A_71 = vector.shape_cast %add3A_70 : vector<16x128xf32> to vector<1x16x128xf32>
    %broadcast_in_dim3A_72 = vector.shape_cast %broadcast_in_dim3A_71 : vector<1x16x128xf32> to vector<1x16x128xf32>
    %broadcast_in_dim3A_73 = vector.broadcast %broadcast_in_dim3A_72 : vector<1x16x128xf32> to vector<32x16x128xf32>
    %swap3A = arith.constant 0 : index
    %swap3A_74 = arith.constant 0 : index
    %swap3A_75 = arith.constant 0 : index
    %swap3A_76 = vector.load %arg4[%swap3A, %swap3A_74, %swap3A_75] : memref<32x16x128xf32, #tpu.memory_space<vmem>>, vector<32x16x128xf32>
    tpu.vector_store %arg4[%swap3A, %swap3A_74, %swap3A_75], %broadcast_in_dim3A_73 {strides = array<i32>} : memref<32x16x128xf32, #tpu.memory_space<vmem>>, vector<32x16x128xf32>,
    return
  }
}

</mosaic_0001>

<sc_bundles>
// kernel: kernel.4.cloned.1.call-start
scs
__scs_entry_jumppad:
0x0: {  	(pc) =	sbr.rel $0x88, $3  }
0x1: {  	(tag) =	ssettag $0x0;
	lr =	simm.s32 $0x1  }
0x2: {  	[smem:$0x3F9C] =	sst lr;
	_ =	strace $0xD0000000  }
0x3: {  	_ = 	snop  }
0x4: {  	_ = 	snop  }
0x5: {  	_ = 	snop  }
0x6: {  	_ = 	snop  }
0x7: {  	_ = 	snop  }
__scs_overlays_trampoline_lowered:
0x8: {  	[smem:$0x3FAB] =	sst s0  }
0x9: {  	[smem:$0x3FAC] =	sst s1  }
0xa: {  	[smem:$0x3FAD] =	sst s2  }
0xb: {  	[smem:$0x3FAE] =	sst s3  }
0xc: {  	[smem:$0x3FAF] =	sst s4  }
0xd: {  	[smem:$0x3FB0] =	sst s5  }
0xe: {  	[smem:$0x3FB1] =	sst s6  }
0xf: {  	[smem:$0x3FB2] =	sst s7  }
0x10: {  	[smem:$0x3FB3] =	sst s8  }
0x11: {  	[smem:$0x3FB4] =	sst s9;
	s0 =	simm.s32 @!p0 $0x0  }
0x12: {  	s1 =	sld [smem:$0x3F9A];
	s0 =	simm.s32 @p0 $0x1  }
0x13: {  	[smem:$0x3FB5] =	sst s0;
	s0 =	simm.s32 @!p1 $0x0  }
0x14: {  	s2 =	sld [smem:$0x3F99];
	s0 =	simm.s32 @p1 $0x1  }
0x15: {  	[smem:$0x3FB6] =	sst s0;
	s0 =	simm.s32 @!p2 $0x0  }
0x16: {  	s3 =	sld [smem:$0x3FDB];
	s0 =	simm.s32 @p2 $0x1  }
0x17: {  	s4 =	simm.s32 $0x1BF5;
	[smem:$0x3FB8] =	sst s0  }
0x18: {  	s0 =	sld [smem:$0x3F9B];
	_ =	swait.ge [sflag:s4], $0x0  }
0x19: {  	s7 =	sld [smem:$0x3F9C]  }
0x1a: {  	s8 =	sadd.s32 $0xFFFFE003, lr  }
0x1b: {  	s9 =	sadd.s32 $0xFFFFFEF7, lr;
	s5 =	simm.s32 $0xFFFFFFFF;
	p2 =	slt.u32 s8, $0xFFFFF086  }
0x1c: {  	p1 =	slt.u32 s9, $0xF7A;
	s5 =	simm.s32 @!p2 $0x0  }
0x1d: {  	s5 =	simm.s32 @p1 $0x1;
	p0 =	seq.s32 s7, s2  }
0x1e: {  	s7 =	smul.u32 @!p0 $0xF7A, s2;
	p2 =	seq.s32 @!p0 s5, $0x0  }
0x1f: {  	s9 =	smul.u32 $0xF7A, s1;
	s8 =	simm.s32 @!p0 $0x1BF5;
	p2 =	por !p2, p0  }
0x20: {  	[sflag:s8] =	ssyncset.s32 @!p0 $0xFFFFF086;
	s6 =	sadd.s32 @!p0 s3, s7;
	s7 =	simm.s32 @!p0 $0x108  }
0x21: {  	s3 =	sadd.s32 s3, s9;
	s6 =	sadd.s32 @!p0 $0x88, s6;
	s7 =	simm.s32 @p2 $0x1082  }
0x22: {  	[simem:s7], [sflag:s8] =	dma.local @!p0 [hbm:s6], $0xF7A  }
0x23: {  	s9 =	sor.u32 $0xD0000000, s2;
	s6 =	simm.s32 $0x108;
	_ =	swait.ge @!p0 [sflag:s8], $0x0  }
0x24: {  	s3 =	sadd.s32 $0x88, s3;
	s6 =	simm.s32 @!p1 $0x1082;
	[sflag:s4] =	ssyncset.s32 $0xFFFFF086  }
0x25: {  	[simem:s6], [sflag:s4] =	dma.local [hbm:s3], $0xF7A  }
0x26: {  	[smem:$0x3F9C] =	sst s1;
	(tag) =	ssettag s2;
	_ =	strace s9  }
0x27: {  	s1 =	sld [smem:$0x3FAC]  }
0x28: {  	s2 =	sld [smem:$0x3FAD]  }
0x29: {  	s4 =	sld [smem:$0x3FAF]  }
0x2a: {  	p0 =	seq.s32 s5, $0x0;
	s5 =	sld [smem:$0x3FB0]  }
0x2b: {  	s6 =	sld [smem:$0x3FB1]  }
0x2c: {  	s7 =	sld [smem:$0x3FB2]  }
0x2d: {  	s3 =	simm.s32 $0x108;
	s8 =	sld [smem:$0x3FB3]  }
0x2e: {  	s3 =	simm.s32 @!p0 $0x1082;
	s9 =	sld [smem:$0x3FB4]  }
0x2f: {  	lr =	sadd.s32 s0, s3;
	s0 =	sld [smem:$0x3FAB]  }
0x30: {  	s3 =	sld [smem:$0x3FAE]  }
0x31: {  	[smem:$0x3FB7] =	sst s10  }
0x32: {  	s10 =	sld [smem:$0x3FB5];
	_ =	sdelay $0x3  }
0x33: {  	p0 =	seq.s32 s10, $0x1;
	s10 =	sld [smem:$0x3FB7];
	_ =	sdelay $0x3  }
0x34: {  	[smem:$0x3FB7] =	sst s10  }
0x35: {  	s10 =	sld [smem:$0x3FB6];
	_ =	sdelay $0x3  }
0x36: {  	p1 =	seq.s32 s10, $0x1;
	s10 =	sld [smem:$0x3FB7];
	_ =	sdelay $0x3  }
0x37: {  	[smem:$0x3FB7] =	sst s10  }
0x38: {  	s10 =	sld [smem:$0x3FB8]  }
0x39: {  	_ = 	snop;
	(pc) =	sbr.ind lr, $3  }
0x3a: {  	_ = 	snop  }
0x3b: {  	_ = 	snop  }
0x3c: {  	p2 =	seq.s32 s10, $0x1;
	s10 =	sld [smem:$0x3FB7]  }
0x3d: {  	_ =	shalt  }
0x3e: {  	_ =	shalt  }
0x3f: {  	_ =	shalt  }
0x40: {  	_ =	shalt  }
0x41: {  	_ =	shalt  }
0x42: {  	_ =	shalt  }
0x43: {  	_ =	shalt  }
0x44: {  	_ =	shalt  }
0x45: {  	_ =	shalt  }
0x46: {  	_ =	shalt  }
0x47: {  	_ =	shalt  }
0x48: {  	_ =	shalt  }
0x49: {  	_ =	shalt  }
0x4a: {  	_ =	shalt  }
0x4b: {  	_ =	shalt  }
0x4c: {  	_ =	shalt  }
0x4d: {  	_ =	shalt  }
0x4e: {  	_ =	shalt  }
0x4f: {  	_ =	shalt  }
0x50: {  	_ =	shalt  }
0x51: {  	_ =	shalt  }
0x52: {  	_ =	shalt  }
0x53: {  	_ =	shalt  }
0x54: {  	_ =	shalt  }
0x55: {  	_ =	shalt  }
0x56: {  	_ =	shalt  }
0x57: {  	_ =	shalt  }
0x58: {  	_ =	shalt  }
0x59: {  	_ =	shalt  }
0x5a: {  	_ =	shalt  }
0x5b: {  	_ =	shalt  }
0x5c: {  	_ =	shalt  }
0x5d: {  	_ =	shalt  }
0x5e: {  	_ =	shalt  }
0x5f: {  	_ =	shalt  }
0x60: {  	_ =	shalt  }
0x61: {  	_ =	shalt  }
0x62: {  	_ =	shalt  }
0x63: {  	_ =	shalt  }
0x64: {  	_ =	shalt  }
0x65: {  	_ =	shalt  }
0x66: {  	_ =	shalt  }
0x67: {  	_ =	shalt  }
0x68: {  	_ =	shalt  }
0x69: {  	_ =	shalt  }
0x6a: {  	_ =	shalt  }
0x6b: {  	_ =	shalt  }
0x6c: {  	_ =	shalt  }
0x6d: {  	_ =	shalt  }
0x6e: {  	_ =	shalt  }
0x6f: {  	_ =	shalt  }
0x70: {  	_ =	shalt  }
0x71: {  	_ =	shalt  }
0x72: {  	_ =	shalt  }
0x73: {  	_ =	shalt  }
0x74: {  	_ =	shalt  }
0x75: {  	_ =	shalt  }
0x76: {  	_ =	shalt  }
0x77: {  	_ =	shalt  }
0x78: {  	_ =	shalt  }
0x79: {  	_ =	shalt  }
0x7a: {  	_ =	shalt  }
0x7b: {  	_ =	shalt  }
0x7c: {  	_ =	shalt  }
0x7d: {  	_ =	shalt  }
0x7e: {  	_ =	shalt  }
0x7f: {  	_ =	shalt  }
0x80: {  	_ =	shalt  }
0x81: {  	_ =	shalt  }
0x82: {  	_ =	shalt  }
0x83: {  	_ =	shalt  }
0x84: {  	_ =	shalt  }
0x85: {  	_ =	shalt  }
0x86: {  	_ =	shalt  }
0x87: {  	_ =	shalt  }
.Lfunc_end0:
.L_simem_size_0:
called_computation_lowered:
.L_overlay_start_0:
0x88: {  	s2 =	sld [smem:$0x3FD9]  }
0x89: {  	s3 =	sld [smem:$0x3FFE];
	_ =	sdelay $0x1  }
0x8a: {  	s1 =	srdreg.scid  }
0x8b: {  	s0 =	sand.u32 $0x1, s1  }
0x8c: {  	s17 =	sshll.u32 s0, $0xA;
	s2 =	sadd.s32 s3, s2  }
0x8d: {  	s2 =	sadd.s32 s2, s17  }
0x8e: {  	[smem:$0x3FC3] =	sst s2  }
0x8f: {  	_ = 	snop  }
0x90: {  	s2 =	sld [smem:$0x3FC9]  }
0x91: {  	s18 =	sld [smem:$0x3FD0];
	(tm) =	ssettm $0x1  }
0x92: {  	s4 =	sld [smem:$0x3FFB];
	_ =	sdelay $0x3  }
0x93: {  	_ =	strace s4  }
0x94: {  	s4 =	sld [smem:$0x3FFC];
	_ =	sdelay $0x3  }
0x95: {  	_ =	strace s4  }
0x96: {  	s4 =	sld [smem:$0x3FFD];
	_ =	sdelay $0x3  }
0x97: {  	_ =	strace s4  }
0x98: {  	_ =	strace $0x8FFFFFFF  }
0x99: {  	s19 =	sld [smem:$0x3FDB];
	_ =	sdelay $0x1  }
0x9a: {  	s5 =	simm.s32 $_scs_section_size  }
0x9b: {  	s6 =	simm.s32 $_size__tile_overlayer_lowered;
	s7 =	simm.s32 $_tile_overlayer_lowered  }
0x9c: {  	s22 =	simm.s32 $0x1BFF;
	s21 =	sshll.u32 s7, $0x1;
	s4 =	sadd.s32 s5, s19  }
0x9d: {  	s8 =	simm.s32 $0x0;
	s20 =	sshll.u32 s6, $0x1;
	s6 =	sadd.s32 s21, s4  }
0x9e: {  	[timem:s8], [sflag:s22] =	dma.local [hbm:s6], s20  }
0x9f: {  	_ =	swait.ge [sflag:s22], s20  }
0xa0: {  	s5 =	ssub.s32 $0x0, s20;
	[sflag:s22] =	ssyncset.done $0x0  }
0xa1: {  	[sflag:s22] =	ssyncadd.s32 s5;
	_ =	sdelay $0x1  }
0xa2: {  	s23 =	simm.s32 $0x1B8B  }
0xa3: {  	_ =	swait.ge [sflag:s23], $0x1  }
0xa4: {  	[sflag:s23] =	ssyncset.done $0x0  }
0xa5: {  	s25 =	simm.s32 $0x1B8E;
	s24 =	sld [smem:$0x3FFE];
	[sflag:s23] =	ssyncadd.s32 $0xFFFFFFFF  }
0xa6: {  	s26 =	simm.s32 $execute0_lowered;
	[smem:$0x3FD2] =	sst s25  }
0xa7: {  	s6 =	sshll.u32 s26, $0x1;
	_ =	strace $0x80000046;
	[dreg:$0x1] =	wrdreg $0xFFFFFFFF  }
0xa8: {  	s28 =	simm.s32 $_size_execute0_lowered;
	s4 =	sadd.s32 s4, s6;
	[dreg:$0x0] =	wrdreg $0x0  }
0xa9: {  	s6 =	sshll.u32 s28, $0x1;
	[dreg:$0x2] =	wrdreg s4  }
0xaa: {  	[dreg:$0x3] =	wrdreg s6  }
0xab: {  	[dreg:$0x4] =	wrdreg $0xC0  }
0xac: {  	_ =	task [dreg:s8], $0x5FFFF  }
0xad: {  	[dreg:$0x1] =	wrdreg $0xFFFFFFFF  }
0xae: {  	[dreg:$0x0] =	wrdreg $0x60  }
0xaf: {  	[dreg:$0x2] =	wrdreg s24  }
0xb0: {  	[dreg:$0x3] =	wrdreg s2  }
0xb1: {  	[dreg:$0x4] =	wrdreg s18  }
0xb2: {  	[dreg:$0x5] =	wrdreg $0x194000  }
0xb3: {  	[dreg:$0x6] =	wrdreg $0x9  }
0xb4: {  	_ =	task.clear_ibuf [dreg:s8], $0x7FFFF;
	_ =	strace $0x90000046  }
0xb5: {  	s29 =	simm.s32 $0x9;
	_ =	strace $0x80000048  }
0xb6: {  	_ =	swait.ge [sflag:s29], $0x1  }
0xb7: {  	[sflag:s29] =	ssyncadd.s32 $0xFFFFFFFF  }
0xb8: {  	_ =	strace $0x90000048  }
0xb9: {  	_ =	sfence  }
0xba: {  	s30 =	sld [smem:$0x0];
	_ =	sdelay $0x2  }
0xbb: {  	s31 =	sshll.u32 s1, $0xD;
	s1 =	sshrl.u32 s1, $0x2  }
0xbc: {  	s3 =	sand.u32 $0x4000, s31;
	s1 =	sadd.s32 s1, s30  }
0xbd: {  	s0 =	sor.u32 s3, s0;
	s1 =	sshll.u32 s1, $0x11  }
0xbe: {  	s0 =	sor.u32 s1, s0  }
0xbf: {  	s0 =	sadd.s32 $0x8F2B, s0  }
0xc0: {  	[sflag:s0] =	ssyncadd.remote.s32 $0x1  }
0xc1: {  	_ =	sfence.sel $0xFFFF  }
0xc2: {  	[dreg:$0x0] =	wrdreg $0xFFFFFFFF;
	(pc) =	sbr.abs _section_cstart, $3  }
0xc3: {  	[dreg:$0x1] =	wrdreg $0xFFFFFFFF  }
0xc4: {  	_ =	task.clear_ibuf [dreg:s8], $0x2FFFF;
	_ =	strace $0x9FFFFFFF  }
0xc5: {  	(tm) =	ssettm $0x7FFFFFFF  }
tec
execute0_lowered:
.L_overlay_start_1:
0x0: {  	(tag) =	ssettag $0x1  }
0x1: {  	s3 =	rddreg [dreg:$0x0]  }
0x2: {  	s12 =	rddreg [dreg:$0x1]  }
0x3: {  	s13 =	rddreg [dreg:$0x2];
	s0 =	srdreg.scid  }
0x4: {  	s14 =	stileid.u32;
	s1 =	rddreg [dreg:$0x3];
	s20 =	simm.s32 $0x1  }
0x5: {  	s21 =	simm.s32 $0xCC00;
	s23 =	simm.s32 $0x3;
	s17 =	smul.u32 $0x64, s14  }
0x6: {  	s24 =	simm.s32 $0x0;
	s11 =	sand.u32 $0x1, s0;
	s18 =	smul.u32 $0x3200, s14  }
0x7: {  	s2 =	sshll.u32 s14, $0x1;
	s0 =	rddreg [dreg:$0x4];
	s31 =	smul.u32 $0x32, s11  }
0x8: {  	s3 =	sadd.s32 $0xC00, s3;
	s6 =	sor.u32 s11, s2;
	s19 =	smul.u32 $0x1900, s11  }
0x9: {  	p0 =	sne.s32 s14, $0x0;
	s2 =	simm.s32 $0x0;
	s5 =	smul.u32 $0x32, s6  }
0xa: {  	s4 =	ssub.s32 $0x2, s11;
	s14 =	sshrl.u32 @!p0 s1, $0x3;
	s8 =	smul.u32 $0x190, s6  }
0xb: {  	[smem:$0x7FF] =	sst s2;
	s7 =	sshrl.u32 s4, $0x1;
	s29 =	smul.u32 $0x1900, s6  }
0xc: {  	s22 =	sshll.u32 s6, $0x4;
	s16 =	smul.u32 $0xC800, s6;
	_ =	strace $0x80000047  }
0xd: {  	s15 =	ssub.s32 s4, s7;
	v0 =	vmov s22;
	s22 =	simm.s32 $0x2;
	s4 =	sadd.s32 s12, s5  }
0xe: {  	s9 =	sadd.s32 $0x3200, s8;
	s28 =	sshrl.u32 s8, $0x3;
	s7 =	sadd.s32 s13, s29  }
0xf: {  	s30 =	sshrl.u32 s16, $0x3;
	s11 =	smax.u32 s15, $0x1;
	s15 =	simm.s32 $0x200  }
0x10: {  	s16 =	simm.s32 $0x4;
	s26 =	sshrl.u32 s9, $0x3;
	s10 =	sadd.s32 s12, s28  }
0x11: {  	s9 =	sshll.u32 s9, $0x4;
	s5 =	sadd.s32 s12, s26;
	s6 =	sadd.s32 $0xC80, s10  }
0x12: {  	s8 =	sadd.s32 $0x12C0, s10;
	s10 =	sadd.s32 s13, s30;
	s9 =	sadd.s32 s13, s9  }
0x13: {  	s12 =	sadd.s32 s17, s12;
	s13 =	sadd.s32 s18, s13;
	s17 =	simm.s32 $0x190  }
0x14: {  	s18 =	simm.s32 $0x400;
	s10 =	sadd.s32 $0x1838000, s10;
	s13 =	sadd.s32 s19, s13  }
0x15: {  	s12 =	sadd.s32 s31, s12;
	s19 =	simm.s32 $0x5;
	s13 =	sadd.s32 $0x96000, s13  }
.LBB2_1:
0x16: {  	s25 =	simm.s32 @!p0 $0x1C06  }
0x17: {  	[spmem:s14], [sflag:s25] =	dma.local @!p0 [hbm:s3], $0x2000  }
0x18: {  	s25 =	simm.s32 @!p0 $0x6  }
0x19: {  	_ =	swait.ge @!p0 [sflag:s25], $0x2000  }
0x1a: {  	[sflag:s25] =	ssyncset.done @!p0 $0x0  }
0x1b: {  	[sflag:s25] =	ssyncadd.s32 @!p0 $0xFFFFE000  }
0x1c: {  	[bflag:$0x0] =	sbarrier.arrive $0xFFFF  }
0x1d: {  	[tilespmem:s2], [sflag:$0x4] =	stream.linear.gather [hbm4b:s4+s2], $0x190, $0x38;
	[tilespmem:$0x1A400] =	vst v63  }
0x1e: {  	_ = 	snop  }
0x1f: {  	[tilespmem:s15], [sflag:$0x5] =	stream.linear.gather [hbm4b:s5+s2], $0x190, $0x38;
	[tilespmem:$0x1A400] =	vst v63  }
0x20: {  	_ =	swait.ge [sflag:s16], $0x190  }
0x21: {  	[sflag:s16] =	ssyncset.done $0x0  }
0x22: {  	[sflag:s16] =	ssyncadd.s32 $0xFFFFFE70  }
0x23: {  	v1 =	vld [tilespmem:$0x0]  }
0x24: {  	v2 =	vld [tilespmem:$0x10]  }
0x25: {  	v3 =	vld [tilespmem:$0x20]  }
0x26: {  	v4 =	vld [tilespmem:$0x30]  }
0x27: {  	v5 =	vld [tilespmem:$0x40]  }
0x28: {  	v6 =	vld [tilespmem:$0x50];
	v1 =	vadd.s32 v0, v1  }
0x29: {  	[tilespmem:$0x0] =	vst v1;
	v1 =	vadd.s32 v0, v2;
	v2 =	vld [tilespmem:$0x60]  }
0x2a: {  	[tilespmem:$0x10] =	vst v1;
	v1 =	vadd.s32 v0, v3;
	v3 =	vld [tilespmem:$0x70]  }
0x2b: {  	v25 =	vld [tilespmem:$0x80];
	[tilespmem:$0x20] =	vst v1;
	v1 =	vadd.s32 v0, v4  }
0x2c: {  	v26 =	vld [tilespmem:$0x90];
	[tilespmem:$0x30] =	vst v1;
	v1 =	vadd.s32 v0, v5  }
0x2d: {  	v27 =	vld [tilespmem:$0xA0];
	[tilespmem:$0x40] =	vst v1;
	v1 =	vadd.s32 v0, v6  }
0x2e: {  	[tilespmem:$0x50] =	vst v1;
	v1 =	vadd.s32 v0, v2;
	v2 =	vld [tilespmem:$0xB0]  }
0x2f: {  	[tilespmem:$0x60] =	vst v1;
	v1 =	vadd.s32 v0, v3;
	v3 =	vld [tilespmem:$0xC0]  }
0x30: {  	v28 =	vld [tilespmem:$0xD0];
	[tilespmem:$0x70] =	vst v1;
	v1 =	vadd.s32 v0, v25  }
0x31: {  	v29 =	vld [tilespmem:$0xE0];
	[tilespmem:$0x80] =	vst v1;
	v1 =	vadd.s32 v0, v26  }
0x32: {  	v30 =	vld [tilespmem:$0xF0];
	[tilespmem:$0x90] =	vst v1;
	v1 =	vadd.s32 v0, v27  }
0x33: {  	[tilespmem:$0xA0] =	vst v1;
	v1 =	vadd.s32 v0, v2;
	v2 =	vld [tilespmem:$0x100]  }
0x34: {  	[tilespmem:$0xB0] =	vst v1;
	v1 =	vadd.s32 v0, v3;
	v3 =	vld [tilespmem:$0x110]  }
0x35: {  	v31 =	vld [tilespmem:$0x120];
	[tilespmem:$0xC0] =	vst v1;
	v1 =	vadd.s32 v0, v28  }
0x36: {  	v32 =	vld [tilespmem:$0x130];
	[tilespmem:$0xD0] =	vst v1;
	v1 =	vadd.s32 v0, v29  }
0x37: {  	v33 =	vld [tilespmem:$0x140];
	[tilespmem:$0xE0] =	vst v1;
	v1 =	vadd.s32 v0, v30  }
0x38: {  	[tilespmem:$0xF0] =	vst v1;
	v1 =	vadd.s32 v0, v2;
	v2 =	vld [tilespmem:$0x150]  }
0x39: {  	[tilespmem:$0x100] =	vst v1;
	v1 =	vadd.s32 v0, v3;
	v3 =	vld [tilespmem:$0x160]  }
0x3a: {  	v34 =	vld [tilespmem:$0x170];
	[tilespmem:$0x110] =	vst v1;
	v1 =	vadd.s32 v0, v31  }
0x3b: {  	v35 =	vld [tilespmem:$0x180];
	[tilespmem:$0x120] =	vst v1;
	v1 =	vadd.s32 v0, v32  }
0x3c: {  	[tilespmem:$0x130] =	vst v1;
	v1 =	vadd.s32 v0, v33  }
0x3d: {  	[tilespmem:$0x140] =	vst v1;
	v1 =	vadd.s32 v0, v2  }
0x3e: {  	[tilespmem:$0x150] =	vst v1;
	v1 =	vadd.s32 v0, v3  }
0x3f: {  	[tilespmem:$0x160] =	vst v1;
	v1 =	vadd.s32 v0, v34  }
0x40: {  	[tilespmem:$0x170] =	vst v1;
	v1 =	vadd.s32 v0, v35  }
0x41: {  	[tilespmem:$0x180] =	vst v1  }
0x42: {  	[tilespmem:s18], [sflag:$0x1] =	stream.indirect.gather [spmem:s1], $0x80, s2, s17, $0xb8;
	[tilespmem:$0x1A400] =	vst v63  }
0x43: {  	_ =	swait.ge [sflag:s19], $0x190  }
0x44: {  	[sflag:s19] =	ssyncset.done $0x0  }
0x45: {  	[sflag:s19] =	ssyncadd.s32 $0xFFFFFE70  }
0x46: {  	v1 =	vld [tilespmem:$0x200]  }
0x47: {  	v2 =	vld [tilespmem:$0x210]  }
0x48: {  	v3 =	vld [tilespmem:$0x220]  }
0x49: {  	v36 =	vld [tilespmem:$0x230]  }
0x4a: {  	v37 =	vld [tilespmem:$0x240]  }
0x4b: {  	v38 =	vld [tilespmem:$0x250];
	v1 =	vadd.s32 v0, v1  }
0x4c: {  	[tilespmem:$0x200] =	vst v1;
	v1 =	vadd.s32 v0, v2;
	v2 =	vld [tilespmem:$0x260]  }
0x4d: {  	[tilespmem:$0x210] =	vst v1;
	v1 =	vadd.s32 v0, v3;
	v3 =	vld [tilespmem:$0x270]  }
0x4e: {  	v39 =	vld [tilespmem:$0x280];
	[tilespmem:$0x220] =	vst v1;
	v1 =	vadd.s32 v0, v36  }
0x4f: {  	v40 =	vld [tilespmem:$0x290];
	[tilespmem:$0x230] =	vst v1;
	v1 =	vadd.s32 v0, v37  }
0x50: {  	v41 =	vld [tilespmem:$0x2A0];
	[tilespmem:$0x240] =	vst v1;
	v1 =	vadd.s32 v0, v38  }
0x51: {  	[tilespmem:$0x250] =	vst v1;
	v1 =	vadd.s32 v0, v2;
	v2 =	vld [tilespmem:$0x2B0]  }
0x52: {  	[tilespmem:$0x260] =	vst v1;
	v1 =	vadd.s32 v0, v3;
	v3 =	vld [tilespmem:$0x2C0]  }
0x53: {  	v42 =	vld [tilespmem:$0x2D0];
	[tilespmem:$0x270] =	vst v1;
	v1 =	vadd.s32 v0, v39  }
0x54: {  	v43 =	vld [tilespmem:$0x2E0];
	[tilespmem:$0x280] =	vst v1;
	v1 =	vadd.s32 v0, v40  }
0x55: {  	v44 =	vld [tilespmem:$0x2F0];
	[tilespmem:$0x290] =	vst v1;
	v1 =	vadd.s32 v0, v41  }
0x56: {  	[tilespmem:$0x2A0] =	vst v1;
	v1 =	vadd.s32 v0, v2;
	v2 =	vld [tilespmem:$0x300]  }
0x57: {  	[tilespmem:$0x2B0] =	vst v1;
	v1 =	vadd.s32 v0, v3;
	v3 =	vld [tilespmem:$0x310]  }
0x58: {  	v45 =	vld [tilespmem:$0x320];
	[tilespmem:$0x2C0] =	vst v1;
	v1 =	vadd.s32 v0, v42  }
0x59: {  	v46 =	vld [tilespmem:$0x330];
	[tilespmem:$0x2D0] =	vst v1;
	v1 =	vadd.s32 v0, v43  }
0x5a: {  	v47 =	vld [tilespmem:$0x340];
	[tilespmem:$0x2E0] =	vst v1;
	v1 =	vadd.s32 v0, v44  }
0x5b: {  	[tilespmem:$0x2F0] =	vst v1;
	v1 =	vadd.s32 v0, v2;
	v2 =	vld [tilespmem:$0x350]  }
0x5c: {  	[tilespmem:$0x300] =	vst v1;
	v1 =	vadd.s32 v0, v3;
	v3 =	vld [tilespmem:$0x360]  }
0x5d: {  	v48 =	vld [tilespmem:$0x370];
	[tilespmem:$0x310] =	vst v1;
	v1 =	vadd.s32 v0, v45  }
0x5e: {  	v49 =	vld [tilespmem:$0x380];
	[tilespmem:$0x320] =	vst v1;
	v1 =	vadd.s32 v0, v46  }
0x5f: {  	[tilespmem:$0x330] =	vst v1;
	v1 =	vadd.s32 v0, v47  }
0x60: {  	[tilespmem:$0x340] =	vst v1;
	v1 =	vadd.s32 v0, v2  }
0x61: {  	[tilespmem:$0x350] =	vst v1;
	v1 =	vadd.s32 v0, v3  }
0x62: {  	[tilespmem:$0x360] =	vst v1;
	v1 =	vadd.s32 v0, v48  }
0x63: {  	[tilespmem:$0x370] =	vst v1;
	v1 =	vadd.s32 v0, v49  }
0x64: {  	[tilespmem:$0x380] =	vst v1  }
0x65: {  	_ =	swait.ge [sflag:s20], $0xC800  }
0x66: {  	[sflag:s20] =	ssyncset.done $0x0  }
0x67: {  	[sflag:s20] =	ssyncadd.s32 $0xFFFF3800  }
0x68: {  	[tilespmem:s2], [sflag:$0x4] =	stream.linear.gather [hbm4b:s6+s2], $0x190, $0x38;
	[tilespmem:$0x1A400] =	vst v63  }
0x69: {  	_ = 	snop  }
0x6a: {  	[hbm4b:s7+s2] =	stream.linear.scatter [tilespmem:s18], [sflag:$0x2], $0xC800, $0x38;
	[tilespmem:$0x1A400] =	vst v63  }
0x6b: {  	_ = 	snop  }
0x6c: {  	[tilespmem:s21], [sflag:$0x1] =	stream.indirect.gather [spmem:s1], $0x80, s15, s17, $0xb8;
	[tilespmem:$0x1A400] =	vst v63  }
0x6d: {  	_ =	swait.ge [sflag:s16], $0x190  }
0x6e: {  	[sflag:s16] =	ssyncset.done $0x0  }
0x6f: {  	[sflag:s16] =	ssyncadd.s32 $0xFFFFFE70  }
0x70: {  	v1 =	vld [tilespmem:$0x0]  }
0x71: {  	v2 =	vld [tilespmem:$0x10]  }
0x72: {  	v3 =	vld [tilespmem:$0x20]  }
0x73: {  	v50 =	vld [tilespmem:$0x30]  }
0x74: {  	v51 =	vld [tilespmem:$0x40]  }
0x75: {  	v52 =	vld [tilespmem:$0x50];
	v1 =	vadd.s32 v0, v1  }
0x76: {  	[tilespmem:$0x0] =	vst v1;
	v1 =	vadd.s32 v0, v2;
	v2 =	vld [tilespmem:$0x60]  }
0x77: {  	[tilespmem:$0x10] =	vst v1;
	v1 =	vadd.s32 v0, v3;
	v3 =	vld [tilespmem:$0x70]  }
0x78: {  	v53 =	vld [tilespmem:$0x80];
	[tilespmem:$0x20] =	vst v1;
	v1 =	vadd.s32 v0, v50  }
0x79: {  	v54 =	vld [tilespmem:$0x90];
	[tilespmem:$0x30] =	vst v1;
	v1 =	vadd.s32 v0, v51  }
0x7a: {  	v55 =	vld [tilespmem:$0xA0];
	[tilespmem:$0x40] =	vst v1;
	v1 =	vadd.s32 v0, v52  }
0x7b: {  	[tilespmem:$0x50] =	vst v1;
	v1 =	vadd.s32 v0, v2;
	v2 =	vld [tilespmem:$0xB0]  }
0x7c: {  	[tilespmem:$0x60] =	vst v1;
	v1 =	vadd.s32 v0, v3;
	v3 =	vld [tilespmem:$0xC0]  }
0x7d: {  	v56 =	vld [tilespmem:$0xD0];
	[tilespmem:$0x70] =	vst v1;
	v1 =	vadd.s32 v0, v53  }
0x7e: {  	v57 =	vld [tilespmem:$0xE0];
	[tilespmem:$0x80] =	vst v1;
	v1 =	vadd.s32 v0, v54  }
0x7f: {  	v58 =	vld [tilespmem:$0xF0];
	[tilespmem:$0x90] =	vst v1;
	v1 =	vadd.s32 v0, v55  }
0x80: {  	[tilespmem:$0xA0] =	vst v1;
	v1 =	vadd.s32 v0, v2;
	v2 =	vld [tilespmem:$0x100]  }
0x81: {  	[tilespmem:$0xB0] =	vst v1;
	v1 =	vadd.s32 v0, v3;
	v3 =	vld [tilespmem:$0x110]  }
0x82: {  	v59 =	vld [tilespmem:$0x120];
	[tilespmem:$0xC0] =	vst v1;
	v1 =	vadd.s32 v0, v56  }
0x83: {  	v60 =	vld [tilespmem:$0x130];
	[tilespmem:$0xD0] =	vst v1;
	v1 =	vadd.s32 v0, v57  }
0x84: {  	v61 =	vld [tilespmem:$0x140];
	[tilespmem:$0xE0] =	vst v1;
	v1 =	vadd.s32 v0, v58  }
0x85: {  	[tilespmem:$0xF0] =	vst v1;
	v1 =	vadd.s32 v0, v2;
	v2 =	vld [tilespmem:$0x150]  }
0x86: {  	[tilespmem:$0x100] =	vst v1;
	v1 =	vadd.s32 v0, v3;
	v3 =	vld [tilespmem:$0x160]  }
0x87: {  	v62 =	vld [tilespmem:$0x170];
	[tilespmem:$0x110] =	vst v1;
	v1 =	vadd.s32 v0, v59  }
0x88: {  	v63 =	vld [tilespmem:$0x180];
	[tilespmem:$0x120] =	vst v1;
	v1 =	vadd.s32 v0, v60  }
0x89: {  	[tilespmem:$0x130] =	vst v1;
	v1 =	vadd.s32 v0, v61  }
0x8a: {  	[tilespmem:$0x140] =	vst v1;
	v1 =	vadd.s32 v0, v2  }
0x8b: {  	[tilespmem:$0x150] =	vst v1;
	v1 =	vadd.s32 v0, v3  }
0x8c: {  	[tilespmem:$0x160] =	vst v1;
	v1 =	vadd.s32 v0, v62  }
0x8d: {  	[tilespmem:$0x170] =	vst v1;
	v1 =	vadd.s32 v0, v63  }
0x8e: {  	[tilespmem:$0x180] =	vst v1  }
0x8f: {  	_ =	swait.ge [sflag:s20], $0xC800  }
0x90: {  	[sflag:s20] =	ssyncset.done $0x0  }
0x91: {  	[sflag:s20] =	ssyncadd.s32 $0xFFFF3800  }
0x92: {  	[tilespmem:s15], [sflag:$0x5] =	stream.linear.gather [hbm4b:s8+s2], $0x190, $0x38;
	[tilespmem:$0x1A400] =	vst v63  }
0x93: {  	s26 =	simm.s32 $0x0;
	s25 =	smov.u32 s13  }
0x94: {  	[hbm4b:s9+s2] =	stream.linear.scatter [tilespmem:s21], [sflag:$0x3], $0xC800, $0x38;
	[tilespmem:$0x1A400] =	vst v63  }
.LBB2_2:
0x95: {  	_ =	swait.ge [sflag:s22], $0xC800  }
0x96: {  	[sflag:s22] =	ssyncset.done $0x0  }
0x97: {  	[sflag:s22] =	ssyncadd.s32 $0xFFFF3800  }
0x98: {  	[tilespmem:s18], [sflag:$0x1] =	stream.indirect.gather [spmem:s1], $0x80, s2, s17, $0xb8;
	[tilespmem:$0x1A400] =	vst v63  }
0x99: {  	_ =	swait.ge [sflag:s19], $0x190  }
0x9a: {  	[sflag:s19] =	ssyncset.done $0x0  }
0x9b: {  	[sflag:s19] =	ssyncadd.s32 $0xFFFFFE70  }
0x9c: {  	v1 =	vld [tilespmem:$0x200]  }
0x9d: {  	v2 =	vld [tilespmem:$0x210]  }
0x9e: {  	v3 =	vld [tilespmem:$0x220]  }
0x9f: {  	v4 =	vld [tilespmem:$0x230]  }
0xa0: {  	v5 =	vld [tilespmem:$0x240]  }
0xa1: {  	v6 =	vld [tilespmem:$0x250];
	v1 =	vadd.s32 v0, v1  }
0xa2: {  	[tilespmem:$0x200] =	vst v1;
	v1 =	vadd.s32 v0, v2;
	v2 =	vld [tilespmem:$0x260]  }
0xa3: {  	[tilespmem:$0x210] =	vst v1;
	v1 =	vadd.s32 v0, v3;
	v3 =	vld [tilespmem:$0x270]  }
0xa4: {  	v39 =	vld [tilespmem:$0x280];
	[tilespmem:$0x220] =	vst v1;
	v1 =	vadd.s32 v0, v4  }
0xa5: {  	v40 =	vld [tilespmem:$0x290];
	[tilespmem:$0x230] =	vst v1;
	v1 =	vadd.s32 v0, v5  }
0xa6: {  	v41 =	vld [tilespmem:$0x2A0];
	[tilespmem:$0x240] =	vst v1;
	v1 =	vadd.s32 v0, v6  }
0xa7: {  	[tilespmem:$0x250] =	vst v1;
	v1 =	vadd.s32 v0, v2;
	v2 =	vld [tilespmem:$0x2B0]  }
0xa8: {  	[tilespmem:$0x260] =	vst v1;
	v1 =	vadd.s32 v0, v3;
	v3 =	vld [tilespmem:$0x2C0]  }
0xa9: {  	v42 =	vld [tilespmem:$0x2D0];
	[tilespmem:$0x270] =	vst v1;
	v1 =	vadd.s32 v0, v39  }
0xaa: {  	v43 =	vld [tilespmem:$0x2E0];
	[tilespmem:$0x280] =	vst v1;
	v1 =	vadd.s32 v0, v40  }
0xab: {  	v44 =	vld [tilespmem:$0x2F0];
	[tilespmem:$0x290] =	vst v1;
	v1 =	vadd.s32 v0, v41  }
0xac: {  	[tilespmem:$0x2A0] =	vst v1;
	v1 =	vadd.s32 v0, v2;
	v2 =	vld [tilespmem:$0x300]  }
0xad: {  	[tilespmem:$0x2B0] =	vst v1;
	v1 =	vadd.s32 v0, v3;
	v3 =	vld [tilespmem:$0x310]  }
0xae: {  	v45 =	vld [tilespmem:$0x320];
	[tilespmem:$0x2C0] =	vst v1;
	v1 =	vadd.s32 v0, v42  }
0xaf: {  	v46 =	vld [tilespmem:$0x330];
	[tilespmem:$0x2D0] =	vst v1;
	v1 =	vadd.s32 v0, v43  }
0xb0: {  	v47 =	vld [tilespmem:$0x340];
	[tilespmem:$0x2E0] =	vst v1;
	v1 =	vadd.s32 v0, v44  }
0xb1: {  	[tilespmem:$0x2F0] =	vst v1;
	v1 =	vadd.s32 v0, v2;
	v2 =	vld [tilespmem:$0x350]  }
0xb2: {  	[tilespmem:$0x300] =	vst v1;
	v1 =	vadd.s32 v0, v3;
	v3 =	vld [tilespmem:$0x360]  }
0xb3: {  	v48 =	vld [tilespmem:$0x370];
	[tilespmem:$0x310] =	vst v1;
	v1 =	vadd.s32 v0, v45  }
0xb4: {  	v49 =	vld [tilespmem:$0x380];
	[tilespmem:$0x320] =	vst v1;
	v1 =	vadd.s32 v0, v46  }
0xb5: {  	[tilespmem:$0x330] =	vst v1;
	v1 =	vadd.s32 v0, v47  }
0xb6: {  	[tilespmem:$0x340] =	vst v1;
	v1 =	vadd.s32 v0, v2  }
0xb7: {  	[tilespmem:$0x350] =	vst v1;
	v1 =	vadd.s32 v0, v3  }
0xb8: {  	[tilespmem:$0x360] =	vst v1;
	v1 =	vadd.s32 v0, v48  }
0xb9: {  	[tilespmem:$0x370] =	vst v1;
	v1 =	vadd.s32 v0, v49  }
0xba: {  	[tilespmem:$0x380] =	vst v1  }
0xbb: {  	_ =	swait.ge [sflag:s20], $0xC800  }
0xbc: {  	s28 =	sadd.s32 s26, s12;
	[sflag:s20] =	ssyncset.done $0x0  }
0xbd: {  	s28 =	sadd.s32 $0x1900, s28;
	[sflag:s20] =	ssyncadd.s32 $0xFFFF3800  }
0xbe: {  	[tilespmem:s2], [sflag:$0x4] =	stream.linear.gather [hbm4b:s28+s2], $0x190, $0x38;
	[tilespmem:$0x1A400] =	vst v63  }
0xbf: {  	s31 =	sadd.s32 $0xFFFCE000, s25  }
0xc0: {  	[hbm4b:s31+s2] =	stream.linear.scatter [tilespmem:s18], [sflag:$0x2], $0xC800, $0x38;
	[tilespmem:$0x1A400] =	vst v63  }
0xc1: {  	_ =	swait.ge [sflag:s23], $0xC800  }
0xc2: {  	[sflag:s23] =	ssyncset.done $0x0  }
0xc3: {  	[sflag:s23] =	ssyncadd.s32 $0xFFFF3800  }
0xc4: {  	[tilespmem:s21], [sflag:$0x1] =	stream.indirect.gather [spmem:s1], $0x80, s15, s17, $0xb8;
	[tilespmem:$0x1A400] =	vst v63  }
0xc5: {  	_ =	swait.ge [sflag:s16], $0x190  }
0xc6: {  	[sflag:s16] =	ssyncset.done $0x0  }
0xc7: {  	[sflag:s16] =	ssyncadd.s32 $0xFFFFFE70  }
0xc8: {  	v1 =	vld [tilespmem:$0x0]  }
0xc9: {  	v2 =	vld [tilespmem:$0x10]  }
0xca: {  	v3 =	vld [tilespmem:$0x20]  }
0xcb: {  	v50 =	vld [tilespmem:$0x30]  }
0xcc: {  	v51 =	vld [tilespmem:$0x40]  }
0xcd: {  	v52 =	vld [tilespmem:$0x50];
	v1 =	vadd.s32 v0, v1  }
0xce: {  	[tilespmem:$0x0] =	vst v1;
	v1 =	vadd.s32 v0, v2;
	v2 =	vld [tilespmem:$0x60]  }
0xcf: {  	[tilespmem:$0x10] =	vst v1;
	v1 =	vadd.s32 v0, v3;
	v3 =	vld [tilespmem:$0x70]  }
0xd0: {  	v53 =	vld [tilespmem:$0x80];
	[tilespmem:$0x20] =	vst v1;
	v1 =	vadd.s32 v0, v50  }
0xd1: {  	v54 =	vld [tilespmem:$0x90];
	[tilespmem:$0x30] =	vst v1;
	v1 =	vadd.s32 v0, v51  }
0xd2: {  	v55 =	vld [tilespmem:$0xA0];
	[tilespmem:$0x40] =	vst v1;
	v1 =	vadd.s32 v0, v52  }
0xd3: {  	[tilespmem:$0x50] =	vst v1;
	v1 =	vadd.s32 v0, v2;
	v2 =	vld [tilespmem:$0xB0]  }
0xd4: {  	[tilespmem:$0x60] =	vst v1;
	v1 =	vadd.s32 v0, v3;
	v3 =	vld [tilespmem:$0xC0]  }
0xd5: {  	v56 =	vld [tilespmem:$0xD0];
	[tilespmem:$0x70] =	vst v1;
	v1 =	vadd.s32 v0, v53  }
0xd6: {  	v57 =	vld [tilespmem:$0xE0];
	[tilespmem:$0x80] =	vst v1;
	v1 =	vadd.s32 v0, v54  }
0xd7: {  	v58 =	vld [tilespmem:$0xF0];
	[tilespmem:$0x90] =	vst v1;
	v1 =	vadd.s32 v0, v55  }
0xd8: {  	[tilespmem:$0xA0] =	vst v1;
	v1 =	vadd.s32 v0, v2;
	v2 =	vld [tilespmem:$0x100]  }
0xd9: {  	[tilespmem:$0xB0] =	vst v1;
	v1 =	vadd.s32 v0, v3;
	v3 =	vld [tilespmem:$0x110]  }
0xda: {  	v59 =	vld [tilespmem:$0x120];
	[tilespmem:$0xC0] =	vst v1;
	v1 =	vadd.s32 v0, v56  }
0xdb: {  	v60 =	vld [tilespmem:$0x130];
	[tilespmem:$0xD0] =	vst v1;
	v1 =	vadd.s32 v0, v57  }
0xdc: {  	v61 =	vld [tilespmem:$0x140];
	[tilespmem:$0xE0] =	vst v1;
	v1 =	vadd.s32 v0, v58  }
0xdd: {  	[tilespmem:$0xF0] =	vst v1;
	v1 =	vadd.s32 v0, v2;
	v2 =	vld [tilespmem:$0x150]  }
0xde: {  	[tilespmem:$0x100] =	vst v1;
	v1 =	vadd.s32 v0, v3;
	v3 =	vld [tilespmem:$0x160]  }
0xdf: {  	v62 =	vld [tilespmem:$0x170];
	[tilespmem:$0x110] =	vst v1;
	v1 =	vadd.s32 v0, v59  }
0xe0: {  	v63 =	vld [tilespmem:$0x180];
	[tilespmem:$0x120] =	vst v1;
	v1 =	vadd.s32 v0, v60  }
0xe1: {  	[tilespmem:$0x130] =	vst v1;
	v1 =	vadd.s32 v0, v61  }
0xe2: {  	[tilespmem:$0x140] =	vst v1;
	v1 =	vadd.s32 v0, v2  }
0xe3: {  	[tilespmem:$0x150] =	vst v1;
	v1 =	vadd.s32 v0, v3  }
0xe4: {  	[tilespmem:$0x160] =	vst v1;
	v1 =	vadd.s32 v0, v62  }
0xe5: {  	[tilespmem:$0x170] =	vst v1;
	v1 =	vadd.s32 v0, v63  }
0xe6: {  	p1 =	seq.s32 s26, $0x2EE00;
	[tilespmem:$0x180] =	vst v1  }
0xe7: {  	s29 =	simm.s32 @!p1 $0x0;
	_ =	swait.ge [sflag:s20], $0xC800  }
0xe8: {  	s30 =	simm.s32 @!p1 $0x200;
	s28 =	sadd.s32 @!p1 s26, s12;
	[sflag:s20] =	ssyncset.done $0x0  }
0xe9: {  	s26 =	sadd.s32 $0xC80, s26;
	s28 =	sadd.s32 @!p1 $0x1F40, s28;
	[sflag:s20] =	ssyncadd.s32 $0xFFFF3800  }
0xea: {  	[tilespmem:s30], [sflag:$0x5] =	stream.linear.gather @!p1 [hbm4b:s28+s29], $0x190, $0x38;
	[tilespmem:$0x1A400] =	vst v63  }
0xeb: {  	p1 =	sne.s32 s26, $0x2FA80  }
.Ltmp0:
0xec: {  	_ = 	snop;
	(pc) =	sbr.rel @p1 .LBB2_2-.Ltmp0, $3  }
0xed: {  	_ =	sdelay $0x1  }
0xee: {  	[hbm4b:s25+s2] =	stream.linear.scatter [tilespmem:s21], [sflag:$0x3], $0xC800, $0x38;
	[tilespmem:$0x1A400] =	vst v63  }
0xef: {  	s25 =	sadd.s32 $0x64000, s25  }
0xf0: {  	_ =	swait.ge [sflag:s22], $0xC800  }
0xf1: {  	[sflag:s22] =	ssyncset.done $0x0  }
0xf2: {  	[sflag:s22] =	ssyncadd.s32 $0xFFFF3800  }
0xf3: {  	[tilespmem:s18], [sflag:$0x1] =	stream.indirect.gather [spmem:s1], $0x80, s2, s17, $0xb8;
	[tilespmem:$0x1A400] =	vst v63  }
0xf4: {  	_ =	swait.ge [sflag:s20], $0xC800  }
0xf5: {  	[sflag:s20] =	ssyncset.done $0x0  }
0xf6: {  	s24 =	sadd.s32 $0x1, s24;
	[sflag:s20] =	ssyncadd.s32 $0xFFFF3800  }
0xf7: {  	[hbm4b:s10+s2] =	stream.linear.scatter [tilespmem:s18], [sflag:$0x2], $0xC800, $0x38;
	[tilespmem:$0x1A400] =	vst v63  }
0xf8: {  	p1 =	sne.s32 s24, s11;
	_ =	swait.ge [sflag:s22], $0xC800  }
.Ltmp1:
0xf9: {  	[sflag:s22] =	ssyncset.done $0x0;
	(pc) =	sbr.rel @p1 .LBB2_1-.Ltmp1, $4  }
0xfa: {  	[sflag:s22] =	ssyncadd.s32 $0xFFFF3800  }
0xfb: {  	_ =	swait.ge [sflag:s23], $0xC800  }
0xfc: {  	[sflag:s23] =	ssyncset.done $0x0  }
0xfd: {  	[sflag:s23] =	ssyncadd.s32 $0xFFFF3800  }
0xfe: {  	_ =	sfence.sel $0x180000  }
0xff: {  	[bflag:$0x0] =	sbarrier.arrive $0xFFFF  }
0x100: {  	_ =	strace $0x90000047  }
0x101: {  	s0 =	sadd.s32 @!p0 $0x100000, s0;
	[bflag:$0x2] =	sbarrier.arrive $0xFFFF  }
0x102: {  	[sflag:s0] =	ssyncadd.tile.s32 @!p0 $0x1;
	_ =	shalt  }
.Lfunc_end2:
_tile_overlayer_lowered:
.L_overlay_start_2:
0x103: {  	(tag) =	ssettag $0x2  }
0x104: {  	s0 =	rddreg [dreg:$0x0];
	s2 =	stileid.u32  }
0x105: {  	s1 =	rddreg [dreg:$0x1];
	p0 =	sne.s32 s2, $0x0  }
0x106: {  	s3 =	rddreg [dreg:$0x2];
	[bflag:$0x3] =	sbarrier.arrive $0xFFFF;
	s2 =	simm.s32 @!p0 $0x1C06  }
0x107: {  	[timem:s3], [sflag:s2] =	dma.local @!p0 [hbm:s0], s1  }
0x108: {  	s0 =	simm.s32 @!p0 $0x6  }
0x109: {  	_ =	swait.ge @!p0 [sflag:s0], s1  }
0x10a: {  	s1 =	ssub.s32 @!p0 $0x0, s1;
	[sflag:s0] =	ssyncset.done @!p0 $0x0  }
0x10b: {  	[sflag:s0] =	ssyncadd.s32 @!p0 s1  }
0x10c: {  	[bflag:$0x3] =	sbarrier.arrive $0xFFFF  }
0x10d: {  	_ =	shalt  }

</sc_bundles>
